<compile_context>
chip_gen: v7x
topology: tpu7x:2x2x1
jax: 0.10.2.dev20260603
libtpu: 0.0.44.dev20260713+nightly
codegen_flags: <defaults>
</compile_context>

<pallas_src>
import functools

import jax
import jax.numpy as jnp
from jax import lax
from jax.experimental import pallas as pl
from jax.experimental.pallas import tpu as pltpu
from jax.experimental.pallas import tpu_sc as plsc

_NUM_CORES = 2
_NUM_SUBCORES = 16
_LANES = 16
_CHUNK = 2048


@functools.partial(jax.jit, static_argnums=(5,))
def _run(phase, tsw_pad, packed_flat, p2pack, omp2pack, hop):
    batch, seq_len = phase.shape
    tsw_w = tsw_pad.shape[1]
    flat_len = packed_flat.shape[0]

    frames_per_chunk = _CHUNK // hop
    assert frames_per_chunk % 2 == 0
    n_pairs = seq_len // (2 * _CHUNK)
    vecs_per_frame = hop // _LANES

    mesh = plsc.VectorSubcoreMesh(
        core_axis_name="c", subcore_axis_name="s",
        num_cores=_NUM_CORES, num_subcores=_NUM_SUBCORES)

    @functools.partial(
        pl.kernel,
        out_type=jax.ShapeDtypeStruct((batch, seq_len), jnp.float32),
        mesh=mesh,
        scratch_types=[
            pltpu.VMEM((flat_len,), jnp.int32),
            pltpu.VMEM_SHARED((flat_len,), jnp.int32),
            pltpu.VMEM((tsw_w,), jnp.float32),
            pltpu.VMEM((tsw_w,), jnp.int32),
            pltpu.VMEM((tsw_w,), jnp.float32),
            pltpu.VMEM((hop,), jnp.int32),
            pltpu.VMEM((hop,), jnp.int32),
            pltpu.VMEM((_CHUNK,), jnp.float32),
            pltpu.VMEM((_CHUNK,), jnp.float32),
            pltpu.VMEM((_CHUNK,), jnp.float32),
            pltpu.VMEM((_CHUNK,), jnp.float32),
            pltpu.SemaphoreType.DMA,
            pltpu.SemaphoreType.DMA,
            pltpu.SemaphoreType.DMA,
            pltpu.SemaphoreType.DMA,
            pltpu.SemaphoreType.DMA,
        ],
        compiler_params=pltpu.CompilerParams(needs_layout_passes=False),
    )
    def run(phase_hbm, tsw_hbm, table_hbm, p2p_hbm, omp2p_hbm, out_hbm,
            tab_v, shr_v, tsw_v, row_v, frac_v, p2p_v, omp2p_v,
            ph0_v, ph1_v, ou0_v, ou1_v, si0, si1, so0, so1, st):
        sid = lax.axis_index("s")
        wid = sid * _NUM_CORES + lax.axis_index("c")

        stripe = flat_len // _NUM_SUBCORES
        ssl = pl.ds(sid * stripe, stripe)
        pltpu.async_copy(phase_hbm.at[wid, pl.ds(0, _CHUNK)], ph0_v, si0)
        pltpu.async_copy(phase_hbm.at[wid, pl.ds(_CHUNK, _CHUNK)], ph1_v, si1)
        table_dma = pltpu.async_copy(table_hbm.at[ssl], shr_v.at[ssl], st)
        pltpu.sync_copy(p2p_hbm, p2p_v)
        pltpu.sync_copy(omp2p_hbm, omp2p_v)
        pltpu.sync_copy(tsw_hbm.at[wid], tsw_v)

        t_minus_1 = float(_NUM_TABLES - 1)
        for j in range(tsw_w // _LANES):
            sl = pl.ds(j * _LANES, _LANES)
            w = tsw_v[sl] * t_minus_1
            r = jnp.clip(w.astype(jnp.int32), 0, _NUM_TABLES - 2)
            row_v[sl] = r * _TABLE_LEN
            frac_v[sl] = w - r.astype(jnp.float32)

        table_dma.wait()
        plsc.subcore_barrier()
        pltpu.sync_copy(shr_v, tab_v)

        def compute(ph_v, out_v, c):

            @plsc.parallel_loop(0, frames_per_chunk, 1, unroll=2)
            def frame_body(fl):
                f = c * frames_per_chunk + fl
                fvec = jnp.full((_LANES,), f, dtype=jnp.int32)
                rfb = plsc.load_gather(row_v, [fvec])
                qf = plsc.load_gather(frac_v, [fvec])
                rcb = plsc.load_gather(row_v, [fvec + 1])
                qc = plsc.load_gather(frac_v, [fvec + 1])
                omqf = 1.0 - qf
                omqc = 1.0 - qc
                ifmt = plsc.PackFormat.INTERLEAVED
                wf0 = plsc.pack(omqf, omqf, format=ifmt)
                wf1 = plsc.pack(qf, qf, format=ifmt)
                wc0 = plsc.pack(omqc, omqc, format=ifmt)
                wc1 = plsc.pack(qc, qc, format=ifmt)
                rf1b = rfb + _TABLE_LEN
                rc1b = rcb + _TABLE_LEN
                base = fl * hop

                @plsc.parallel_loop(0, hop, _LANES, unroll=2)
                def _(k):
                    sl = pl.ds(base + k, _LANES)
                    ksl = pl.ds(k, _LANES)
                    x = ph_v[sl] * float(_TABLE_LEN)
                    i0 = x.astype(jnp.int32)
                    px = x - i0.astype(jnp.float32)
                    ompx = 1.0 - px
                    g0 = plsc.load_gather(tab_v, [rfb + i0])
                    g1 = plsc.load_gather(tab_v, [rf1b + i0])
                    g2 = plsc.load_gather(tab_v, [rcb + i0])
                    g3 = plsc.load_gather(tab_v, [rc1b + i0])
                    p0 = plsc.bitcast(g0, jnp.bfloat16)
                    p1 = plsc.bitcast(g1, jnp.bfloat16)
                    p2_ = plsc.bitcast(g2, jnp.bfloat16)
                    p3 = plsc.bitcast(g3, jnp.bfloat16)
                    sfp = p0 * wf0 + p1 * wf1
                    scp = p2_ * wc0 + p3 * wc1
                    p2k = plsc.bitcast(p2p_v[ksl], jnp.bfloat16)
                    omp2k = plsc.bitcast(omp2p_v[ksl], jnp.bfloat16)
                    acc = sfp * omp2k + scp * p2k
                    u, v = plsc.unpack(acc, format=ifmt)
                    out_v[sl] = u * ompx + v * px

        def start_in(buf, sem, c):
            pltpu.async_copy(phase_hbm.at[wid, pl.ds(c * _CHUNK, _CHUNK)],
                             buf, sem)

        def start_out(buf, sem, c):
            pltpu.async_copy(buf, out_hbm.at[wid, pl.ds(c * _CHUNK, _CHUNK)],
                             sem)

        def wait_in(buf, sem):
            pltpu.make_async_copy(phase_hbm.at[wid, pl.ds(0, _CHUNK)],
                                  buf, sem).wait()

        def wait_out(buf, sem):
            pltpu.make_async_copy(buf, out_hbm.at[wid, pl.ds(0, _CHUNK)],
                                  sem).wait()

        def pair_body(c2, carry):
            c0 = 2 * c2

            wait_in(ph0_v, si0)

            @pl.when(c2 > 0)
            def _():
                wait_out(ou0_v, so0)

            compute(ph0_v, ou0_v, c0)
            start_out(ou0_v, so0, c0)

            @pl.when(c2 < n_pairs - 1)
            def _():
                start_in(ph0_v, si0, c0 + 2)

            wait_in(ph1_v, si1)

            @pl.when(c2 > 0)
            def _():
                wait_out(ou1_v, so1)

            compute(ph1_v, ou1_v, c0 + 1)
            start_out(ou1_v, so1, c0 + 1)

            @pl.when(c2 < n_pairs - 1)
            def _():
                start_in(ph1_v, si1, c0 + 3)

            return carry

        lax.fori_loop(0, n_pairs, pair_body, 0)
        wait_out(ou0_v, so0)
        wait_out(ou1_v, so1)

    return run(phase, tsw_pad, packed_flat, p2pack, omp2pack)


_NUM_TABLES = 100
_TABLE_LEN = 1024


def _pack_pair_bits(a_bf16, b_bf16):
    lo = jax.lax.bitcast_convert_type(a_bf16, jnp.uint16).astype(jnp.uint32)
    hi = jax.lax.bitcast_convert_type(b_bf16, jnp.uint16).astype(jnp.uint32)
    return jax.lax.bitcast_convert_type(lo | (hi << 16), jnp.int32)


def kernel(wrapped_phase, table_select_weight, table, hop_size):
    batch, seq_len = wrapped_phase.shape
    n_frames_p1 = table_select_weight.shape[1]
    hop = seq_len // (n_frames_p1 - 1)

    assert batch == _NUM_CORES * _NUM_SUBCORES
    assert table.shape == (_NUM_TABLES, _TABLE_LEN)
    assert hop % _LANES == 0 and _CHUNK % hop == 0
    assert seq_len % (2 * _CHUNK) == 0

    tb = table.astype(jnp.bfloat16)
    packed_flat = _pack_pair_bits(tb, jnp.roll(tb, -1, axis=1)).reshape(-1)

    tsw_w = -(-n_frames_p1 // _LANES) * _LANES
    tsw_pad = jnp.pad(table_select_weight, ((0, 0), (0, tsw_w - n_frames_p1)))

    p2 = (jnp.arange(hop, dtype=wrapped_phase.dtype) / hop_size)
    p2pack = _pack_pair_bits(p2.astype(jnp.bfloat16), p2.astype(jnp.bfloat16))
    omp2 = (1.0 - p2).astype(jnp.bfloat16)
    omp2pack = _pack_pair_bits(omp2, omp2)

    return _run(wrapped_phase, tsw_pad, packed_flat, p2pack, omp2pack, hop)

# --- scband reference (transcript-rebuilt; emitter-appended) ---
"""Pipeline reference for scband-glottal-flow-table-61881888800992 (READ-ONLY COPY).

The authoritative reference and input builder live on the scoring server;
editing this copy changes nothing except your own understanding.
"""

import jax, jax.numpy as jnp
import numpy as np

TABLE_SIZE = 100
TABLE_LENGTH = 1024
BATCH = 32
SEQ_LEN = 65536
HOP_SIZE = 256


def setup_inputs(seed: int = 0) -> dict:
    key = jax.random.key(seed)
    k1, k2, k3 = jax.random.split(key, 3)
    wrapped_phase = jax.random.uniform(k1, (BATCH, SEQ_LEN), dtype=jnp.float32)
    n_frames_p1 = SEQ_LEN // HOP_SIZE + 1
    table_select_weight = jax.random.uniform(k2, (BATCH, n_frames_p1), dtype=jnp.float32)
    # Stand-in for the LF glottal-flow-derivative table built in __init__
    # (get_transformed_lf is external); constant-power normalized like the module.
    table = jax.random.normal(k3, (TABLE_SIZE, TABLE_LENGTH), dtype=jnp.float32)
    table = table / jnp.linalg.norm(table, axis=1, keepdims=True) * jnp.sqrt(float(TABLE_LENGTH))
    return {
        "wrapped_phase": wrapped_phase,
        "table_select_weight": table_select_weight,
        "table": table,
        "hop_size": HOP_SIZE,
    }


def reference(wrapped_phase, table_select_weight, table, hop_size):
    batch, seq_len = wrapped_phase.shape
    num_tables, table_length = table.shape
    hop_static = seq_len // (table_select_weight.shape[1] - 1)

    # --- 2-dim table_select_weight branch: interpolate between adjacent tables ---
    table_index_raw = table_select_weight * (num_tables - 1)
    floor_index = jnp.clip(table_index_raw.astype(jnp.int32), 0, num_tables - 2)
    p = table_index_raw - floor_index.astype(table_index_raw.dtype)
    p = p[..., None]
    flow = table[floor_index] * (1.0 - p) + table[floor_index + 1] * p  # (B, F+1, L)

    # --- pad phase to multiple of hop_size and frame it ---
    pad_len = (hop_static - seq_len % hop_static) % hop_static
    wp = jnp.pad(wrapped_phase, ((0, 0), (0, pad_len)), mode="edge")
    wp = wp.reshape(batch, -1, hop_static)  # (B, F, hop)
    n_frames = wp.shape[1]

    if flow.shape[1] < n_frames + 1:
        flow = jnp.pad(flow, ((0, 0), (0, n_frames - flow.shape[1] + 1), (0, 0)), mode="edge")
    else:
        flow = flow[:, : n_frames + 1]

    # --- phase -> table position ---
    table_index_raw2 = wp * table_length
    floor_index2 = jnp.clip(table_index_raw2.astype(jnp.int32), 0, table_length - 1)
    p_frac = table_index_raw2 - floor_index2.astype(table_index_raw2.dtype)  # (B, F, hop)

    padded_flow = jnp.concatenate([flow, flow[:, :, :1]], axis=2)  # (B, F+1, L+1)
    floor_flow = padded_flow[:, :-1]  # (B, F, L+1)
    ceil_flow = padded_flow[:, 1:]    # (B, F, L+1)

    p2 = jnp.arange(hop_static, dtype=wrapped_phase.dtype) / hop_size  # (hop,)

    b_idx = jnp.arange(batch)[:, None, None]
    f_idx = jnp.arange(n_frames)[None, :, None]

    selected_floor_flow = (
        floor_flow[b_idx, f_idx, floor_index2] * (1.0 - p_frac)
        + floor_flow[b_idx, f_idx, floor_index2 + 1] * p_frac
    )
    selected_ceil_flow = (
        ceil_flow[b_idx, f_idx, floor_index2] * (1.0 - p_frac)
        + ceil_flow[b_idx, f_idx, floor_index2 + 1] * p_frac
    )

    final_flow = selected_floor_flow * (1.0 - p2) + selected_ceil_flow * p2
    final_flow = final_flow.reshape(batch, -1)[:, :seq_len]
    return final_flow

if __name__ == "__main__":
    import jax
    _d = setup_inputs()
    print(jax.jit(kernel)(*tuple(_d.values())))

</pallas_src>

<mosaic_0001>
#map = affine_map<(d0, d1) -> (0, 0)>
#map1 = affine_map<(d0, d1) -> (0)>
module attributes {stable_mosaic.version = 14 : i64} {
  func.func @run(%arg0: i32, %arg1: i32, %arg2: memref<32x65536xf32, #tpu.memory_space<hbm>>, %arg3: memref<32x272xf32, #tpu.memory_space<hbm>>, %arg4: memref<102400xi32, #tpu.memory_space<hbm>>, %arg5: memref<256xi32, #tpu.memory_space<hbm>>, %arg6: memref<256xi32, #tpu.memory_space<hbm>>, %arg7: memref<32x65536xf32, #tpu.memory_space<hbm>>, %arg8: memref<102400xi32, #tpu.memory_space<vmem>>, %arg9: memref<102400xi32, #tpu.memory_space<vmem_shared>>, %arg10: memref<272xf32, #tpu.memory_space<vmem>>, %arg11: memref<272xi32, #tpu.memory_space<vmem>>, %arg12: memref<272xf32, #tpu.memory_space<vmem>>, %arg13: memref<256xi32, #tpu.memory_space<vmem>>, %arg14: memref<256xi32, #tpu.memory_space<vmem>>, %arg15: memref<2048xf32, #tpu.memory_space<vmem>>, %arg16: memref<2048xf32, #tpu.memory_space<vmem>>, %arg17: memref<2048xf32, #tpu.memory_space<vmem>>, %arg18: memref<2048xf32, #tpu.memory_space<vmem>>, %arg19: memref<!tpu.dma_semaphore, #tpu.memory_space<semaphore_mem>>, %arg20: memref<!tpu.dma_semaphore, #tpu.memory_space<semaphore_mem>>, %arg21: memref<!tpu.dma_semaphore, #tpu.memory_space<semaphore_mem>>, %arg22: memref<!tpu.dma_semaphore, #tpu.memory_space<semaphore_mem>>, %arg23: memref<!tpu.dma_semaphore, #tpu.memory_space<semaphore_mem>>) attributes {dimension_semantics = [#tpu.dimension_semantics<core_parallel>, #tpu.dimension_semantics<subcore_parallel>], iteration_bounds = array<i64: 2, 16>, scalar_prefetch = 0 : i64, scratch_operands = 16 : i64, tpu.core_type = #tpu.core_type<sc_vector_subcore>, window_params = [{transform_indices = #map}, {transform_indices = #map}, {transform_indices = #map1}, {transform_indices = #map1}, {transform_indices = #map1}, {transform_indices = #map}]} {
    %mul3A = arith.constant 2 : i32
    %mul3A_0 = arith.muli %arg1, %mul3A : i32
    %add3A = arith.addi %mul3A_0, %arg0 : i32
    %mul3A_1 = arith.constant 6400 : i32
    %mul3A_2 = arith.muli %arg1, %mul3A_1 : i32
    %dma_start3A = arith.constant 0 : i32
    %dma_start3A_3 = tpu.memref_slice %arg2[%add3A, %dma_start3A] : memref<32x65536xf32, #tpu.memory_space<hbm>> -> memref<1x2048xf32, #tpu.memory_space<hbm>>
    %dma_start3A_4 = tpu.memref_squeeze %dma_start3A_3 : memref<1x2048xf32, #tpu.memory_space<hbm>> -> memref<2048xf32, #tpu.memory_space<hbm>>
    %dma_start3A_5 = arith.constant 0 : i32
    %dma_start3A_6 = tpu.memref_slice %arg2[%add3A, %dma_start3A_5] : memref<32x65536xf32, #tpu.memory_space<hbm>> -> memref<1x2048xf32, #tpu.memory_space<hbm>>
    %dma_start3A_7 = tpu.memref_squeeze %dma_start3A_6 : memref<1x2048xf32, #tpu.memory_space<hbm>> -> memref<2048xf32, #tpu.memory_space<hbm>>
    tpu.enqueue_dma source(%dma_start3A_7 : memref<2048xf32, #tpu.memory_space<hbm>>) target(%arg15 : memref<2048xf32, #tpu.memory_space<vmem>>) target_semaphore(%arg19 : memref<!tpu.dma_semaphore, #tpu.memory_space<semaphore_mem>>)
    %dma_start3A_8 = arith.constant 2048 : i32
    %dma_start3A_9 = tpu.memref_slice %arg2[%add3A, %dma_start3A_8] : memref<32x65536xf32, #tpu.memory_space<hbm>> -> memref<1x2048xf32, #tpu.memory_space<hbm>>
    %dma_start3A_10 = tpu.memref_squeeze %dma_start3A_9 : memref<1x2048xf32, #tpu.memory_space<hbm>> -> memref<2048xf32, #tpu.memory_space<hbm>>
    %dma_start3A_11 = arith.constant 2048 : i32
    %dma_start3A_12 = tpu.memref_slice %arg2[%add3A, %dma_start3A_11] : memref<32x65536xf32, #tpu.memory_space<hbm>> -> memref<1x2048xf32, #tpu.memory_space<hbm>>
    %dma_start3A_13 = tpu.memref_squeeze %dma_start3A_12 : memref<1x2048xf32, #tpu.memory_space<hbm>> -> memref<2048xf32, #tpu.memory_space<hbm>>
    tpu.enqueue_dma source(%dma_start3A_13 : memref<2048xf32, #tpu.memory_space<hbm>>) target(%arg16 : memref<2048xf32, #tpu.memory_space<vmem>>) target_semaphore(%arg20 : memref<!tpu.dma_semaphore, #tpu.memory_space<semaphore_mem>>)
    %dma_start3A_14 = tpu.memref_slice %arg9[%mul3A_2] : memref<102400xi32, #tpu.memory_space<vmem_shared>> -> memref<6400xi32, #tpu.memory_space<vmem_shared>>
    %dma_start3A_15 = tpu.memref_slice %arg4[%mul3A_2] : memref<102400xi32, #tpu.memory_space<hbm>> -> memref<6400xi32, #tpu.memory_space<hbm>>
    tpu.enqueue_dma source(%dma_start3A_15 : memref<6400xi32, #tpu.memory_space<hbm>>) target(%dma_start3A_14 : memref<6400xi32, #tpu.memory_space<vmem_shared>>) target_semaphore(%arg23 : memref<!tpu.dma_semaphore, #tpu.memory_space<semaphore_mem>>)
    "tpu.region"() ({
      %run_scoped3A = tpu.sem_alloc : memref<!tpu.dma_semaphore, #tpu.memory_space<semaphore_mem>>
      tpu.enqueue_dma source(%arg5 : memref<256xi32, #tpu.memory_space<hbm>>) target(%arg13 : memref<256xi32, #tpu.memory_space<vmem>>) target_semaphore(%run_scoped3A : memref<!tpu.dma_semaphore, #tpu.memory_space<semaphore_mem>>)
      tpu.wait_dma2 semaphore(%run_scoped3A : memref<!tpu.dma_semaphore, #tpu.memory_space<semaphore_mem>>) src(%arg5 : memref<256xi32, #tpu.memory_space<hbm>>) dst(%arg13 : memref<256xi32, #tpu.memory_space<vmem>>)
      tpu.yield
    }) : () -> ()
    "tpu.region"() ({
      %run_scoped3A = tpu.sem_alloc : memref<!tpu.dma_semaphore, #tpu.memory_space<semaphore_mem>>
      tpu.enqueue_dma source(%arg6 : memref<256xi32, #tpu.memory_space<hbm>>) target(%arg14 : memref<256xi32, #tpu.memory_space<vmem>>) target_semaphore(%run_scoped3A : memref<!tpu.dma_semaphore, #tpu.memory_space<semaphore_mem>>)
      tpu.wait_dma2 semaphore(%run_scoped3A : memref<!tpu.dma_semaphore, #tpu.memory_space<semaphore_mem>>) src(%arg6 : memref<256xi32, #tpu.memory_space<hbm>>) dst(%arg14 : memref<256xi32, #tpu.memory_space<vmem>>)
      tpu.yield
    }) : () -> ()
    "tpu.region"() ({
      %run_scoped3A = tpu.sem_alloc : memref<!tpu.dma_semaphore, #tpu.memory_space<semaphore_mem>>
      %dma_start3A_384 = arith.constant 0 : i32
      %dma_start3A_385 = tpu.memref_slice %arg3[%add3A, %dma_start3A_384] : memref<32x272xf32, #tpu.memory_space<hbm>> -> memref<1x272xf32, #tpu.memory_space<hbm>>
      %dma_start3A_386 = tpu.memref_squeeze %dma_start3A_385 : memref<1x272xf32, #tpu.memory_space<hbm>> -> memref<272xf32, #tpu.memory_space<hbm>>
      %dma_start3A_387 = arith.constant 0 : i32
      %dma_start3A_388 = tpu.memref_slice %arg3[%add3A, %dma_start3A_387] : memref<32x272xf32, #tpu.memory_space<hbm>> -> memref<1x272xf32, #tpu.memory_space<hbm>>
      %dma_start3A_389 = tpu.memref_squeeze %dma_start3A_388 : memref<1x272xf32, #tpu.memory_space<hbm>> -> memref<272xf32, #tpu.memory_space<hbm>>
      tpu.enqueue_dma source(%dma_start3A_389 : memref<272xf32, #tpu.memory_space<hbm>>) target(%arg10 : memref<272xf32, #tpu.memory_space<vmem>>) target_semaphore(%run_scoped3A : memref<!tpu.dma_semaphore, #tpu.memory_space<semaphore_mem>>)
      %dma_wait3A_390 = arith.constant 0 : i32
      %dma_wait3A_391 = tpu.memref_slice %arg3[%add3A, %dma_wait3A_390] : memref<32x272xf32, #tpu.memory_space<hbm>> -> memref<1x272xf32, #tpu.memory_space<hbm>>
      %dma_wait3A_392 = tpu.memref_squeeze %dma_wait3A_391 : memref<1x272xf32, #tpu.memory_space<hbm>> -> memref<272xf32, #tpu.memory_space<hbm>>
      %dma_wait3A_393 = arith.constant 0 : i32
      %dma_wait3A_394 = tpu.memref_slice %arg3[%add3A, %dma_wait3A_393] : memref<32x272xf32, #tpu.memory_space<hbm>> -> memref<1x272xf32, #tpu.memory_space<hbm>>
      %dma_wait3A_395 = tpu.memref_squeeze %dma_wait3A_394 : memref<1x272xf32, #tpu.memory_space<hbm>> -> memref<272xf32, #tpu.memory_space<hbm>>
      tpu.wait_dma2 semaphore(%run_scoped3A : memref<!tpu.dma_semaphore, #tpu.memory_space<semaphore_mem>>) src(%dma_wait3A_395 : memref<272xf32, #tpu.memory_space<hbm>>) dst(%arg10 : memref<272xf32, #tpu.memory_space<vmem>>)
      tpu.yield
    }) : () -> ()
    %get3A = arith.constant 0 : index
    %get3A_16 = tpu.vector_load %arg10[%get3A] {strides = array<i32>} : memref<272xf32, #tpu.memory_space<vmem>>, vector<16xf32>,
    %mul3A_17 = arith.constant 9.900000e+01 : f32
    %mul3A_18 = vector.broadcast %mul3A_17 : f32 to vector<16xf32>
    %mul3A_19 = arith.mulf %get3A_16, %mul3A_18 : vector<16xf32>
    %convert_element_type3A = arith.fptosi %mul3A_19 : vector<16xf32> to vector<16xi32>
    %jit3A = arith.constant 0 : i32
    %jit3A_20 = arith.constant 98 : i32
    %max3A = vector.broadcast %jit3A : i32 to vector<16xi32>
    %max3A_21 = arith.maxsi %max3A, %convert_element_type3A : vector<16xi32>
    %min3A = vector.broadcast %jit3A_20 : i32 to vector<16xi32>
    %min3A_22 = arith.minsi %min3A, %max3A_21 : vector<16xi32>
    %mul3A_23 = arith.constant 1024 : i32
    %mul3A_24 = vector.broadcast %mul3A_23 : i32 to vector<16xi32>
    %mul3A_25 = arith.muli %min3A_22, %mul3A_24 : vector<16xi32>
    %swap3A = arith.constant 0 : index
    %swap3A_26 = tpu.vector_load %arg11[%swap3A] {strides = array<i32>} : memref<272xi32, #tpu.memory_space<vmem>>, vector<16xi32>,
    tpu.vector_store %arg11[%swap3A], %mul3A_25 {strides = array<i32>} : memref<272xi32, #tpu.memory_space<vmem>>, vector<16xi32>,
    %convert_element_type3A_27 = arith.sitofp %min3A_22 : vector<16xi32> to vector<16xf32>
    %sub3A = arith.subf %mul3A_19, %convert_element_type3A_27 : vector<16xf32>
    %swap3A_28 = arith.constant 0 : index
    %swap3A_29 = tpu.vector_load %arg12[%swap3A_28] {strides = array<i32>} : memref<272xf32, #tpu.memory_space<vmem>>, vector<16xf32>,
    tpu.vector_store %arg12[%swap3A_28], %sub3A {strides = array<i32>} : memref<272xf32, #tpu.memory_space<vmem>>, vector<16xf32>,
    %get3A_30 = arith.constant 16 : index
    %get3A_31 = tpu.vector_load %arg10[%get3A_30] {strides = array<i32>} : memref<272xf32, #tpu.memory_space<vmem>>, vector<16xf32>,
    %mul3A_32 = arith.constant 9.900000e+01 : f32
    %mul3A_33 = vector.broadcast %mul3A_32 : f32 to vector<16xf32>
    %mul3A_34 = arith.mulf %get3A_31, %mul3A_33 : vector<16xf32>
    %convert_element_type3A_35 = arith.fptosi %mul3A_34 : vector<16xf32> to vector<16xi32>
    %jit3A_36 = arith.constant 0 : i32
    %jit3A_37 = arith.constant 98 : i32
    %max3A_38 = vector.broadcast %jit3A_36 : i32 to vector<16xi32>
    %max3A_39 = arith.maxsi %max3A_38, %convert_element_type3A_35 : vector<16xi32>
    %min3A_40 = vector.broadcast %jit3A_37 : i32 to vector<16xi32>
    %min3A_41 = arith.minsi %min3A_40, %max3A_39 : vector<16xi32>
    %mul3A_42 = arith.constant 1024 : i32
    %mul3A_43 = vector.broadcast %mul3A_42 : i32 to vector<16xi32>
    %mul3A_44 = arith.muli %min3A_41, %mul3A_43 : vector<16xi32>
    %swap3A_45 = arith.constant 16 : index
    %swap3A_46 = tpu.vector_load %arg11[%swap3A_45] {strides = array<i32>} : memref<272xi32, #tpu.memory_space<vmem>>, vector<16xi32>,
    tpu.vector_store %arg11[%swap3A_45], %mul3A_44 {strides = array<i32>} : memref<272xi32, #tpu.memory_space<vmem>>, vector<16xi32>,
    %convert_element_type3A_47 = arith.sitofp %min3A_41 : vector<16xi32> to vector<16xf32>
    %sub3A_48 = arith.subf %mul3A_34, %convert_element_type3A_47 : vector<16xf32>
    %swap3A_49 = arith.constant 16 : index
    %swap3A_50 = tpu.vector_load %arg12[%swap3A_49] {strides = array<i32>} : memref<272xf32, #tpu.memory_space<vmem>>, vector<16xf32>,
    tpu.vector_store %arg12[%swap3A_49], %sub3A_48 {strides = array<i32>} : memref<272xf32, #tpu.memory_space<vmem>>, vector<16xf32>,
    %get3A_51 = arith.constant 32 : index
    %get3A_52 = tpu.vector_load %arg10[%get3A_51] {strides = array<i32>} : memref<272xf32, #tpu.memory_space<vmem>>, vector<16xf32>,
    %mul3A_53 = arith.constant 9.900000e+01 : f32
    %mul3A_54 = vector.broadcast %mul3A_53 : f32 to vector<16xf32>
    %mul3A_55 = arith.mulf %get3A_52, %mul3A_54 : vector<16xf32>
    %convert_element_type3A_56 = arith.fptosi %mul3A_55 : vector<16xf32> to vector<16xi32>
    %jit3A_57 = arith.constant 0 : i32
    %jit3A_58 = arith.constant 98 : i32
    %max3A_59 = vector.broadcast %jit3A_57 : i32 to vector<16xi32>
    %max3A_60 = arith.maxsi %max3A_59, %convert_element_type3A_56 : vector<16xi32>
    %min3A_61 = vector.broadcast %jit3A_58 : i32 to vector<16xi32>
    %min3A_62 = arith.minsi %min3A_61, %max3A_60 : vector<16xi32>
    %mul3A_63 = arith.constant 1024 : i32
    %mul3A_64 = vector.broadcast %mul3A_63 : i32 to vector<16xi32>
    %mul3A_65 = arith.muli %min3A_62, %mul3A_64 : vector<16xi32>
    %swap3A_66 = arith.constant 32 : index
    %swap3A_67 = tpu.vector_load %arg11[%swap3A_66] {strides = array<i32>} : memref<272xi32, #tpu.memory_space<vmem>>, vector<16xi32>,
    tpu.vector_store %arg11[%swap3A_66], %mul3A_65 {strides = array<i32>} : memref<272xi32, #tpu.memory_space<vmem>>, vector<16xi32>,
    %convert_element_type3A_68 = arith.sitofp %min3A_62 : vector<16xi32> to vector<16xf32>
    %sub3A_69 = arith.subf %mul3A_55, %convert_element_type3A_68 : vector<16xf32>
    %swap3A_70 = arith.constant 32 : index
    %swap3A_71 = tpu.vector_load %arg12[%swap3A_70] {strides = array<i32>} : memref<272xf32, #tpu.memory_space<vmem>>, vector<16xf32>,
    tpu.vector_store %arg12[%swap3A_70], %sub3A_69 {strides = array<i32>} : memref<272xf32, #tpu.memory_space<vmem>>, vector<16xf32>,
    %get3A_72 = arith.constant 48 : index
    %get3A_73 = tpu.vector_load %arg10[%get3A_72] {strides = array<i32>} : memref<272xf32, #tpu.memory_space<vmem>>, vector<16xf32>,
    %mul3A_74 = arith.constant 9.900000e+01 : f32
    %mul3A_75 = vector.broadcast %mul3A_74 : f32 to vector<16xf32>
    %mul3A_76 = arith.mulf %get3A_73, %mul3A_75 : vector<16xf32>
    %convert_element_type3A_77 = arith.fptosi %mul3A_76 : vector<16xf32> to vector<16xi32>
    %jit3A_78 = arith.constant 0 : i32
    %jit3A_79 = arith.constant 98 : i32
    %max3A_80 = vector.broadcast %jit3A_78 : i32 to vector<16xi32>
    %max3A_81 = arith.maxsi %max3A_80, %convert_element_type3A_77 : vector<16xi32>
    %min3A_82 = vector.broadcast %jit3A_79 : i32 to vector<16xi32>
    %min3A_83 = arith.minsi %min3A_82, %max3A_81 : vector<16xi32>
    %mul3A_84 = arith.constant 1024 : i32
    %mul3A_85 = vector.broadcast %mul3A_84 : i32 to vector<16xi32>
    %mul3A_86 = arith.muli %min3A_83, %mul3A_85 : vector<16xi32>
    %swap3A_87 = arith.constant 48 : index
    %swap3A_88 = tpu.vector_load %arg11[%swap3A_87] {strides = array<i32>} : memref<272xi32, #tpu.memory_space<vmem>>, vector<16xi32>,
    tpu.vector_store %arg11[%swap3A_87], %mul3A_86 {strides = array<i32>} : memref<272xi32, #tpu.memory_space<vmem>>, vector<16xi32>,
    %convert_element_type3A_89 = arith.sitofp %min3A_83 : vector<16xi32> to vector<16xf32>
    %sub3A_90 = arith.subf %mul3A_76, %convert_element_type3A_89 : vector<16xf32>
    %swap3A_91 = arith.constant 48 : index
    %swap3A_92 = tpu.vector_load %arg12[%swap3A_91] {strides = array<i32>} : memref<272xf32, #tpu.memory_space<vmem>>, vector<16xf32>,
    tpu.vector_store %arg12[%swap3A_91], %sub3A_90 {strides = array<i32>} : memref<272xf32, #tpu.memory_space<vmem>>, vector<16xf32>,
    %get3A_93 = arith.constant 64 : index
    %get3A_94 = tpu.vector_load %arg10[%get3A_93] {strides = array<i32>} : memref<272xf32, #tpu.memory_space<vmem>>, vector<16xf32>,
    %mul3A_95 = arith.constant 9.900000e+01 : f32
    %mul3A_96 = vector.broadcast %mul3A_95 : f32 to vector<16xf32>
    %mul3A_97 = arith.mulf %get3A_94, %mul3A_96 : vector<16xf32>
    %convert_element_type3A_98 = arith.fptosi %mul3A_97 : vector<16xf32> to vector<16xi32>
    %jit3A_99 = arith.constant 0 : i32
    %jit3A_100 = arith.constant 98 : i32
    %max3A_101 = vector.broadcast %jit3A_99 : i32 to vector<16xi32>
    %max3A_102 = arith.maxsi %max3A_101, %convert_element_type3A_98 : vector<16xi32>
    %min3A_103 = vector.broadcast %jit3A_100 : i32 to vector<16xi32>
    %min3A_104 = arith.minsi %min3A_103, %max3A_102 : vector<16xi32>
    %mul3A_105 = arith.constant 1024 : i32
    %mul3A_106 = vector.broadcast %mul3A_105 : i32 to vector<16xi32>
    %mul3A_107 = arith.muli %min3A_104, %mul3A_106 : vector<16xi32>
    %swap3A_108 = arith.constant 64 : index
    %swap3A_109 = tpu.vector_load %arg11[%swap3A_108] {strides = array<i32>} : memref<272xi32, #tpu.memory_space<vmem>>, vector<16xi32>,
    tpu.vector_store %arg11[%swap3A_108], %mul3A_107 {strides = array<i32>} : memref<272xi32, #tpu.memory_space<vmem>>, vector<16xi32>,
    %convert_element_type3A_110 = arith.sitofp %min3A_104 : vector<16xi32> to vector<16xf32>
    %sub3A_111 = arith.subf %mul3A_97, %convert_element_type3A_110 : vector<16xf32>
    %swap3A_112 = arith.constant 64 : index
    %swap3A_113 = tpu.vector_load %arg12[%swap3A_112] {strides = array<i32>} : memref<272xf32, #tpu.memory_space<vmem>>, vector<16xf32>,
    tpu.vector_store %arg12[%swap3A_112], %sub3A_111 {strides = array<i32>} : memref<272xf32, #tpu.memory_space<vmem>>, vector<16xf32>,
    %get3A_114 = arith.constant 80 : index
    %get3A_115 = tpu.vector_load %arg10[%get3A_114] {strides = array<i32>} : memref<272xf32, #tpu.memory_space<vmem>>, vector<16xf32>,
    %mul3A_116 = arith.constant 9.900000e+01 : f32
    %mul3A_117 = vector.broadcast %mul3A_116 : f32 to vector<16xf32>
    %mul3A_118 = arith.mulf %get3A_115, %mul3A_117 : vector<16xf32>
    %convert_element_type3A_119 = arith.fptosi %mul3A_118 : vector<16xf32> to vector<16xi32>
    %jit3A_120 = arith.constant 0 : i32
    %jit3A_121 = arith.constant 98 : i32
    %max3A_122 = vector.broadcast %jit3A_120 : i32 to vector<16xi32>
    %max3A_123 = arith.maxsi %max3A_122, %convert_element_type3A_119 : vector<16xi32>
    %min3A_124 = vector.broadcast %jit3A_121 : i32 to vector<16xi32>
    %min3A_125 = arith.minsi %min3A_124, %max3A_123 : vector<16xi32>
    %mul3A_126 = arith.constant 1024 : i32
    %mul3A_127 = vector.broadcast %mul3A_126 : i32 to vector<16xi32>
    %mul3A_128 = arith.muli %min3A_125, %mul3A_127 : vector<16xi32>
    %swap3A_129 = arith.constant 80 : index
    %swap3A_130 = tpu.vector_load %arg11[%swap3A_129] {strides = array<i32>} : memref<272xi32, #tpu.memory_space<vmem>>, vector<16xi32>,
    tpu.vector_store %arg11[%swap3A_129], %mul3A_128 {strides = array<i32>} : memref<272xi32, #tpu.memory_space<vmem>>, vector<16xi32>,
    %convert_element_type3A_131 = arith.sitofp %min3A_125 : vector<16xi32> to vector<16xf32>
    %sub3A_132 = arith.subf %mul3A_118, %convert_element_type3A_131 : vector<16xf32>
    %swap3A_133 = arith.constant 80 : index
    %swap3A_134 = tpu.vector_load %arg12[%swap3A_133] {strides = array<i32>} : memref<272xf32, #tpu.memory_space<vmem>>, vector<16xf32>,
    tpu.vector_store %arg12[%swap3A_133], %sub3A_132 {strides = array<i32>} : memref<272xf32, #tpu.memory_space<vmem>>, vector<16xf32>,
    %get3A_135 = arith.constant 96 : index
    %get3A_136 = tpu.vector_load %arg10[%get3A_135] {strides = array<i32>} : memref<272xf32, #tpu.memory_space<vmem>>, vector<16xf32>,
    %mul3A_137 = arith.constant 9.900000e+01 : f32
    %mul3A_138 = vector.broadcast %mul3A_137 : f32 to vector<16xf32>
    %mul3A_139 = arith.mulf %get3A_136, %mul3A_138 : vector<16xf32>
    %convert_element_type3A_140 = arith.fptosi %mul3A_139 : vector<16xf32> to vector<16xi32>
    %jit3A_141 = arith.constant 0 : i32
    %jit3A_142 = arith.constant 98 : i32
    %max3A_143 = vector.broadcast %jit3A_141 : i32 to vector<16xi32>
    %max3A_144 = arith.maxsi %max3A_143, %convert_element_type3A_140 : vector<16xi32>
    %min3A_145 = vector.broadcast %jit3A_142 : i32 to vector<16xi32>
    %min3A_146 = arith.minsi %min3A_145, %max3A_144 : vector<16xi32>
    %mul3A_147 = arith.constant 1024 : i32
    %mul3A_148 = vector.broadcast %mul3A_147 : i32 to vector<16xi32>
    %mul3A_149 = arith.muli %min3A_146, %mul3A_148 : vector<16xi32>
    %swap3A_150 = arith.constant 96 : index
    %swap3A_151 = tpu.vector_load %arg11[%swap3A_150] {strides = array<i32>} : memref<272xi32, #tpu.memory_space<vmem>>, vector<16xi32>,
    tpu.vector_store %arg11[%swap3A_150], %mul3A_149 {strides = array<i32>} : memref<272xi32, #tpu.memory_space<vmem>>, vector<16xi32>,
    %convert_element_type3A_152 = arith.sitofp %min3A_146 : vector<16xi32> to vector<16xf32>
    %sub3A_153 = arith.subf %mul3A_139, %convert_element_type3A_152 : vector<16xf32>
    %swap3A_154 = arith.constant 96 : index
    %swap3A_155 = tpu.vector_load %arg12[%swap3A_154] {strides = array<i32>} : memref<272xf32, #tpu.memory_space<vmem>>, vector<16xf32>,
    tpu.vector_store %arg12[%swap3A_154], %sub3A_153 {strides = array<i32>} : memref<272xf32, #tpu.memory_space<vmem>>, vector<16xf32>,
    %get3A_156 = arith.constant 112 : index
    %get3A_157 = tpu.vector_load %arg10[%get3A_156] {strides = array<i32>} : memref<272xf32, #tpu.memory_space<vmem>>, vector<16xf32>,
    %mul3A_158 = arith.constant 9.900000e+01 : f32
    %mul3A_159 = vector.broadcast %mul3A_158 : f32 to vector<16xf32>
    %mul3A_160 = arith.mulf %get3A_157, %mul3A_159 : vector<16xf32>
    %convert_element_type3A_161 = arith.fptosi %mul3A_160 : vector<16xf32> to vector<16xi32>
    %jit3A_162 = arith.constant 0 : i32
    %jit3A_163 = arith.constant 98 : i32
    %max3A_164 = vector.broadcast %jit3A_162 : i32 to vector<16xi32>
    %max3A_165 = arith.maxsi %max3A_164, %convert_element_type3A_161 : vector<16xi32>
    %min3A_166 = vector.broadcast %jit3A_163 : i32 to vector<16xi32>
    %min3A_167 = arith.minsi %min3A_166, %max3A_165 : vector<16xi32>
    %mul3A_168 = arith.constant 1024 : i32
    %mul3A_169 = vector.broadcast %mul3A_168 : i32 to vector<16xi32>
    %mul3A_170 = arith.muli %min3A_167, %mul3A_169 : vector<16xi32>
    %swap3A_171 = arith.constant 112 : index
    %swap3A_172 = tpu.vector_load %arg11[%swap3A_171] {strides = array<i32>} : memref<272xi32, #tpu.memory_space<vmem>>, vector<16xi32>,
    tpu.vector_store %arg11[%swap3A_171], %mul3A_170 {strides = array<i32>} : memref<272xi32, #tpu.memory_space<vmem>>, vector<16xi32>,
    %convert_element_type3A_173 = arith.sitofp %min3A_167 : vector<16xi32> to vector<16xf32>
    %sub3A_174 = arith.subf %mul3A_160, %convert_element_type3A_173 : vector<16xf32>
    %swap3A_175 = arith.constant 112 : index
    %swap3A_176 = tpu.vector_load %arg12[%swap3A_175] {strides = array<i32>} : memref<272xf32, #tpu.memory_space<vmem>>, vector<16xf32>,
    tpu.vector_store %arg12[%swap3A_175], %sub3A_174 {strides = array<i32>} : memref<272xf32, #tpu.memory_space<vmem>>, vector<16xf32>,
    %get3A_177 = arith.constant 128 : index
    %get3A_178 = tpu.vector_load %arg10[%get3A_177] {strides = array<i32>} : memref<272xf32, #tpu.memory_space<vmem>>, vector<16xf32>,
    %mul3A_179 = arith.constant 9.900000e+01 : f32
    %mul3A_180 = vector.broadcast %mul3A_179 : f32 to vector<16xf32>
    %mul3A_181 = arith.mulf %get3A_178, %mul3A_180 : vector<16xf32>
    %convert_element_type3A_182 = arith.fptosi %mul3A_181 : vector<16xf32> to vector<16xi32>
    %jit3A_183 = arith.constant 0 : i32
    %jit3A_184 = arith.constant 98 : i32
    %max3A_185 = vector.broadcast %jit3A_183 : i32 to vector<16xi32>
    %max3A_186 = arith.maxsi %max3A_185, %convert_element_type3A_182 : vector<16xi32>
    %min3A_187 = vector.broadcast %jit3A_184 : i32 to vector<16xi32>
    %min3A_188 = arith.minsi %min3A_187, %max3A_186 : vector<16xi32>
    %mul3A_189 = arith.constant 1024 : i32
    %mul3A_190 = vector.broadcast %mul3A_189 : i32 to vector<16xi32>
    %mul3A_191 = arith.muli %min3A_188, %mul3A_190 : vector<16xi32>
    %swap3A_192 = arith.constant 128 : index
    %swap3A_193 = tpu.vector_load %arg11[%swap3A_192] {strides = array<i32>} : memref<272xi32, #tpu.memory_space<vmem>>, vector<16xi32>,
    tpu.vector_store %arg11[%swap3A_192], %mul3A_191 {strides = array<i32>} : memref<272xi32, #tpu.memory_space<vmem>>, vector<16xi32>,
    %convert_element_type3A_194 = arith.sitofp %min3A_188 : vector<16xi32> to vector<16xf32>
    %sub3A_195 = arith.subf %mul3A_181, %convert_element_type3A_194 : vector<16xf32>
    %swap3A_196 = arith.constant 128 : index
    %swap3A_197 = tpu.vector_load %arg12[%swap3A_196] {strides = array<i32>} : memref<272xf32, #tpu.memory_space<vmem>>, vector<16xf32>,
    tpu.vector_store %arg12[%swap3A_196], %sub3A_195 {strides = array<i32>} : memref<272xf32, #tpu.memory_space<vmem>>, vector<16xf32>,
    %get3A_198 = arith.constant 144 : index
    %get3A_199 = tpu.vector_load %arg10[%get3A_198] {strides = array<i32>} : memref<272xf32, #tpu.memory_space<vmem>>, vector<16xf32>,
    %mul3A_200 = arith.constant 9.900000e+01 : f32
    %mul3A_201 = vector.broadcast %mul3A_200 : f32 to vector<16xf32>
    %mul3A_202 = arith.mulf %get3A_199, %mul3A_201 : vector<16xf32>
    %convert_element_type3A_203 = arith.fptosi %mul3A_202 : vector<16xf32> to vector<16xi32>
    %jit3A_204 = arith.constant 0 : i32
    %jit3A_205 = arith.constant 98 : i32
    %max3A_206 = vector.broadcast %jit3A_204 : i32 to vector<16xi32>
    %max3A_207 = arith.maxsi %max3A_206, %convert_element_type3A_203 : vector<16xi32>
    %min3A_208 = vector.broadcast %jit3A_205 : i32 to vector<16xi32>
    %min3A_209 = arith.minsi %min3A_208, %max3A_207 : vector<16xi32>
    %mul3A_210 = arith.constant 1024 : i32
    %mul3A_211 = vector.broadcast %mul3A_210 : i32 to vector<16xi32>
    %mul3A_212 = arith.muli %min3A_209, %mul3A_211 : vector<16xi32>
    %swap3A_213 = arith.constant 144 : index
    %swap3A_214 = tpu.vector_load %arg11[%swap3A_213] {strides = array<i32>} : memref<272xi32, #tpu.memory_space<vmem>>, vector<16xi32>,
    tpu.vector_store %arg11[%swap3A_213], %mul3A_212 {strides = array<i32>} : memref<272xi32, #tpu.memory_space<vmem>>, vector<16xi32>,
    %convert_element_type3A_215 = arith.sitofp %min3A_209 : vector<16xi32> to vector<16xf32>
    %sub3A_216 = arith.subf %mul3A_202, %convert_element_type3A_215 : vector<16xf32>
    %swap3A_217 = arith.constant 144 : index
    %swap3A_218 = tpu.vector_load %arg12[%swap3A_217] {strides = array<i32>} : memref<272xf32, #tpu.memory_space<vmem>>, vector<16xf32>,
    tpu.vector_store %arg12[%swap3A_217], %sub3A_216 {strides = array<i32>} : memref<272xf32, #tpu.memory_space<vmem>>, vector<16xf32>,
    %get3A_219 = arith.constant 160 : index
    %get3A_220 = tpu.vector_load %arg10[%get3A_219] {strides = array<i32>} : memref<272xf32, #tpu.memory_space<vmem>>, vector<16xf32>,
    %mul3A_221 = arith.constant 9.900000e+01 : f32
    %mul3A_222 = vector.broadcast %mul3A_221 : f32 to vector<16xf32>
    %mul3A_223 = arith.mulf %get3A_220, %mul3A_222 : vector<16xf32>
    %convert_element_type3A_224 = arith.fptosi %mul3A_223 : vector<16xf32> to vector<16xi32>
    %jit3A_225 = arith.constant 0 : i32
    %jit3A_226 = arith.constant 98 : i32
    %max3A_227 = vector.broadcast %jit3A_225 : i32 to vector<16xi32>
    %max3A_228 = arith.maxsi %max3A_227, %convert_element_type3A_224 : vector<16xi32>
    %min3A_229 = vector.broadcast %jit3A_226 : i32 to vector<16xi32>
    %min3A_230 = arith.minsi %min3A_229, %max3A_228 : vector<16xi32>
    %mul3A_231 = arith.constant 1024 : i32
    %mul3A_232 = vector.broadcast %mul3A_231 : i32 to vector<16xi32>
    %mul3A_233 = arith.muli %min3A_230, %mul3A_232 : vector<16xi32>
    %swap3A_234 = arith.constant 160 : index
    %swap3A_235 = tpu.vector_load %arg11[%swap3A_234] {strides = array<i32>} : memref<272xi32, #tpu.memory_space<vmem>>, vector<16xi32>,
    tpu.vector_store %arg11[%swap3A_234], %mul3A_233 {strides = array<i32>} : memref<272xi32, #tpu.memory_space<vmem>>, vector<16xi32>,
    %convert_element_type3A_236 = arith.sitofp %min3A_230 : vector<16xi32> to vector<16xf32>
    %sub3A_237 = arith.subf %mul3A_223, %convert_element_type3A_236 : vector<16xf32>
    %swap3A_238 = arith.constant 160 : index
    %swap3A_239 = tpu.vector_load %arg12[%swap3A_238] {strides = array<i32>} : memref<272xf32, #tpu.memory_space<vmem>>, vector<16xf32>,
    tpu.vector_store %arg12[%swap3A_238], %sub3A_237 {strides = array<i32>} : memref<272xf32, #tpu.memory_space<vmem>>, vector<16xf32>,
    %get3A_240 = arith.constant 176 : index
    %get3A_241 = tpu.vector_load %arg10[%get3A_240] {strides = array<i32>} : memref<272xf32, #tpu.memory_space<vmem>>, vector<16xf32>,
    %mul3A_242 = arith.constant 9.900000e+01 : f32
    %mul3A_243 = vector.broadcast %mul3A_242 : f32 to vector<16xf32>
    %mul3A_244 = arith.mulf %get3A_241, %mul3A_243 : vector<16xf32>
    %convert_element_type3A_245 = arith.fptosi %mul3A_244 : vector<16xf32> to vector<16xi32>
    %jit3A_246 = arith.constant 0 : i32
    %jit3A_247 = arith.constant 98 : i32
    %max3A_248 = vector.broadcast %jit3A_246 : i32 to vector<16xi32>
    %max3A_249 = arith.maxsi %max3A_248, %convert_element_type3A_245 : vector<16xi32>
    %min3A_250 = vector.broadcast %jit3A_247 : i32 to vector<16xi32>
    %min3A_251 = arith.minsi %min3A_250, %max3A_249 : vector<16xi32>
    %mul3A_252 = arith.constant 1024 : i32
    %mul3A_253 = vector.broadcast %mul3A_252 : i32 to vector<16xi32>
    %mul3A_254 = arith.muli %min3A_251, %mul3A_253 : vector<16xi32>
    %swap3A_255 = arith.constant 176 : index
    %swap3A_256 = tpu.vector_load %arg11[%swap3A_255] {strides = array<i32>} : memref<272xi32, #tpu.memory_space<vmem>>, vector<16xi32>,
    tpu.vector_store %arg11[%swap3A_255], %mul3A_254 {strides = array<i32>} : memref<272xi32, #tpu.memory_space<vmem>>, vector<16xi32>,
    %convert_element_type3A_257 = arith.sitofp %min3A_251 : vector<16xi32> to vector<16xf32>
    %sub3A_258 = arith.subf %mul3A_244, %convert_element_type3A_257 : vector<16xf32>
    %swap3A_259 = arith.constant 176 : index
    %swap3A_260 = tpu.vector_load %arg12[%swap3A_259] {strides = array<i32>} : memref<272xf32, #tpu.memory_space<vmem>>, vector<16xf32>,
    tpu.vector_store %arg12[%swap3A_259], %sub3A_258 {strides = array<i32>} : memref<272xf32, #tpu.memory_space<vmem>>, vector<16xf32>,
    %get3A_261 = arith.constant 192 : index
    %get3A_262 = tpu.vector_load %arg10[%get3A_261] {strides = array<i32>} : memref<272xf32, #tpu.memory_space<vmem>>, vector<16xf32>,
    %mul3A_263 = arith.constant 9.900000e+01 : f32
    %mul3A_264 = vector.broadcast %mul3A_263 : f32 to vector<16xf32>
    %mul3A_265 = arith.mulf %get3A_262, %mul3A_264 : vector<16xf32>
    %convert_element_type3A_266 = arith.fptosi %mul3A_265 : vector<16xf32> to vector<16xi32>
    %jit3A_267 = arith.constant 0 : i32
    %jit3A_268 = arith.constant 98 : i32
    %max3A_269 = vector.broadcast %jit3A_267 : i32 to vector<16xi32>
    %max3A_270 = arith.maxsi %max3A_269, %convert_element_type3A_266 : vector<16xi32>
    %min3A_271 = vector.broadcast %jit3A_268 : i32 to vector<16xi32>
    %min3A_272 = arith.minsi %min3A_271, %max3A_270 : vector<16xi32>
    %mul3A_273 = arith.constant 1024 : i32
    %mul3A_274 = vector.broadcast %mul3A_273 : i32 to vector<16xi32>
    %mul3A_275 = arith.muli %min3A_272, %mul3A_274 : vector<16xi32>
    %swap3A_276 = arith.constant 192 : index
    %swap3A_277 = tpu.vector_load %arg11[%swap3A_276] {strides = array<i32>} : memref<272xi32, #tpu.memory_space<vmem>>, vector<16xi32>,
    tpu.vector_store %arg11[%swap3A_276], %mul3A_275 {strides = array<i32>} : memref<272xi32, #tpu.memory_space<vmem>>, vector<16xi32>,
    %convert_element_type3A_278 = arith.sitofp %min3A_272 : vector<16xi32> to vector<16xf32>
    %sub3A_279 = arith.subf %mul3A_265, %convert_element_type3A_278 : vector<16xf32>
    %swap3A_280 = arith.constant 192 : index
    %swap3A_281 = tpu.vector_load %arg12[%swap3A_280] {strides = array<i32>} : memref<272xf32, #tpu.memory_space<vmem>>, vector<16xf32>,
    tpu.vector_store %arg12[%swap3A_280], %sub3A_279 {strides = array<i32>} : memref<272xf32, #tpu.memory_space<vmem>>, vector<16xf32>,
    %get3A_282 = arith.constant 208 : index
    %get3A_283 = tpu.vector_load %arg10[%get3A_282] {strides = array<i32>} : memref<272xf32, #tpu.memory_space<vmem>>, vector<16xf32>,
    %mul3A_284 = arith.constant 9.900000e+01 : f32
    %mul3A_285 = vector.broadcast %mul3A_284 : f32 to vector<16xf32>
    %mul3A_286 = arith.mulf %get3A_283, %mul3A_285 : vector<16xf32>
    %convert_element_type3A_287 = arith.fptosi %mul3A_286 : vector<16xf32> to vector<16xi32>
    %jit3A_288 = arith.constant 0 : i32
    %jit3A_289 = arith.constant 98 : i32
    %max3A_290 = vector.broadcast %jit3A_288 : i32 to vector<16xi32>
    %max3A_291 = arith.maxsi %max3A_290, %convert_element_type3A_287 : vector<16xi32>
    %min3A_292 = vector.broadcast %jit3A_289 : i32 to vector<16xi32>
    %min3A_293 = arith.minsi %min3A_292, %max3A_291 : vector<16xi32>
    %mul3A_294 = arith.constant 1024 : i32
    %mul3A_295 = vector.broadcast %mul3A_294 : i32 to vector<16xi32>
    %mul3A_296 = arith.muli %min3A_293, %mul3A_295 : vector<16xi32>
    %swap3A_297 = arith.constant 208 : index
    %swap3A_298 = tpu.vector_load %arg11[%swap3A_297] {strides = array<i32>} : memref<272xi32, #tpu.memory_space<vmem>>, vector<16xi32>,
    tpu.vector_store %arg11[%swap3A_297], %mul3A_296 {strides = array<i32>} : memref<272xi32, #tpu.memory_space<vmem>>, vector<16xi32>,
    %convert_element_type3A_299 = arith.sitofp %min3A_293 : vector<16xi32> to vector<16xf32>
    %sub3A_300 = arith.subf %mul3A_286, %convert_element_type3A_299 : vector<16xf32>
    %swap3A_301 = arith.constant 208 : index
    %swap3A_302 = tpu.vector_load %arg12[%swap3A_301] {strides = array<i32>} : memref<272xf32, #tpu.memory_space<vmem>>, vector<16xf32>,
    tpu.vector_store %arg12[%swap3A_301], %sub3A_300 {strides = array<i32>} : memref<272xf32, #tpu.memory_space<vmem>>, vector<16xf32>,
    %get3A_303 = arith.constant 224 : index
    %get3A_304 = tpu.vector_load %arg10[%get3A_303] {strides = array<i32>} : memref<272xf32, #tpu.memory_space<vmem>>, vector<16xf32>,
    %mul3A_305 = arith.constant 9.900000e+01 : f32
    %mul3A_306 = vector.broadcast %mul3A_305 : f32 to vector<16xf32>
    %mul3A_307 = arith.mulf %get3A_304, %mul3A_306 : vector<16xf32>
    %convert_element_type3A_308 = arith.fptosi %mul3A_307 : vector<16xf32> to vector<16xi32>
    %jit3A_309 = arith.constant 0 : i32
    %jit3A_310 = arith.constant 98 : i32
    %max3A_311 = vector.broadcast %jit3A_309 : i32 to vector<16xi32>
    %max3A_312 = arith.maxsi %max3A_311, %convert_element_type3A_308 : vector<16xi32>
    %min3A_313 = vector.broadcast %jit3A_310 : i32 to vector<16xi32>
    %min3A_314 = arith.minsi %min3A_313, %max3A_312 : vector<16xi32>
    %mul3A_315 = arith.constant 1024 : i32
    %mul3A_316 = vector.broadcast %mul3A_315 : i32 to vector<16xi32>
    %mul3A_317 = arith.muli %min3A_314, %mul3A_316 : vector<16xi32>
    %swap3A_318 = arith.constant 224 : index
    %swap3A_319 = tpu.vector_load %arg11[%swap3A_318] {strides = array<i32>} : memref<272xi32, #tpu.memory_space<vmem>>, vector<16xi32>,
    tpu.vector_store %arg11[%swap3A_318], %mul3A_317 {strides = array<i32>} : memref<272xi32, #tpu.memory_space<vmem>>, vector<16xi32>,
    %convert_element_type3A_320 = arith.sitofp %min3A_314 : vector<16xi32> to vector<16xf32>
    %sub3A_321 = arith.subf %mul3A_307, %convert_element_type3A_320 : vector<16xf32>
    %swap3A_322 = arith.constant 224 : index
    %swap3A_323 = tpu.vector_load %arg12[%swap3A_322] {strides = array<i32>} : memref<272xf32, #tpu.memory_space<vmem>>, vector<16xf32>,
    tpu.vector_store %arg12[%swap3A_322], %sub3A_321 {strides = array<i32>} : memref<272xf32, #tpu.memory_space<vmem>>, vector<16xf32>,
    %get3A_324 = arith.constant 240 : index
    %get3A_325 = tpu.vector_load %arg10[%get3A_324] {strides = array<i32>} : memref<272xf32, #tpu.memory_space<vmem>>, vector<16xf32>,
    %mul3A_326 = arith.constant 9.900000e+01 : f32
    %mul3A_327 = vector.broadcast %mul3A_326 : f32 to vector<16xf32>
    %mul3A_328 = arith.mulf %get3A_325, %mul3A_327 : vector<16xf32>
    %convert_element_type3A_329 = arith.fptosi %mul3A_328 : vector<16xf32> to vector<16xi32>
    %jit3A_330 = arith.constant 0 : i32
    %jit3A_331 = arith.constant 98 : i32
    %max3A_332 = vector.broadcast %jit3A_330 : i32 to vector<16xi32>
    %max3A_333 = arith.maxsi %max3A_332, %convert_element_type3A_329 : vector<16xi32>
    %min3A_334 = vector.broadcast %jit3A_331 : i32 to vector<16xi32>
    %min3A_335 = arith.minsi %min3A_334, %max3A_333 : vector<16xi32>
    %mul3A_336 = arith.constant 1024 : i32
    %mul3A_337 = vector.broadcast %mul3A_336 : i32 to vector<16xi32>
    %mul3A_338 = arith.muli %min3A_335, %mul3A_337 : vector<16xi32>
    %swap3A_339 = arith.constant 240 : index
    %swap3A_340 = tpu.vector_load %arg11[%swap3A_339] {strides = array<i32>} : memref<272xi32, #tpu.memory_space<vmem>>, vector<16xi32>,
    tpu.vector_store %arg11[%swap3A_339], %mul3A_338 {strides = array<i32>} : memref<272xi32, #tpu.memory_space<vmem>>, vector<16xi32>,
    %convert_element_type3A_341 = arith.sitofp %min3A_335 : vector<16xi32> to vector<16xf32>
    %sub3A_342 = arith.subf %mul3A_328, %convert_element_type3A_341 : vector<16xf32>
    %swap3A_343 = arith.constant 240 : index
    %swap3A_344 = tpu.vector_load %arg12[%swap3A_343] {strides = array<i32>} : memref<272xf32, #tpu.memory_space<vmem>>, vector<16xf32>,
    tpu.vector_store %arg12[%swap3A_343], %sub3A_342 {strides = array<i32>} : memref<272xf32, #tpu.memory_space<vmem>>, vector<16xf32>,
    %get3A_345 = arith.constant 256 : index
    %get3A_346 = tpu.vector_load %arg10[%get3A_345] {strides = array<i32>} : memref<272xf32, #tpu.memory_space<vmem>>, vector<16xf32>,
    %mul3A_347 = arith.constant 9.900000e+01 : f32
    %mul3A_348 = vector.broadcast %mul3A_347 : f32 to vector<16xf32>
    %mul3A_349 = arith.mulf %get3A_346, %mul3A_348 : vector<16xf32>
    %convert_element_type3A_350 = arith.fptosi %mul3A_349 : vector<16xf32> to vector<16xi32>
    %jit3A_351 = arith.constant 0 : i32
    %jit3A_352 = arith.constant 98 : i32
    %max3A_353 = vector.broadcast %jit3A_351 : i32 to vector<16xi32>
    %max3A_354 = arith.maxsi %max3A_353, %convert_element_type3A_350 : vector<16xi32>
    %min3A_355 = vector.broadcast %jit3A_352 : i32 to vector<16xi32>
    %min3A_356 = arith.minsi %min3A_355, %max3A_354 : vector<16xi32>
    %mul3A_357 = arith.constant 1024 : i32
    %mul3A_358 = vector.broadcast %mul3A_357 : i32 to vector<16xi32>
    %mul3A_359 = arith.muli %min3A_356, %mul3A_358 : vector<16xi32>
    %swap3A_360 = arith.constant 256 : index
    %swap3A_361 = tpu.vector_load %arg11[%swap3A_360] {strides = array<i32>} : memref<272xi32, #tpu.memory_space<vmem>>, vector<16xi32>,
    tpu.vector_store %arg11[%swap3A_360], %mul3A_359 {strides = array<i32>} : memref<272xi32, #tpu.memory_space<vmem>>, vector<16xi32>,
    %convert_element_type3A_362 = arith.sitofp %min3A_356 : vector<16xi32> to vector<16xf32>
    %sub3A_363 = arith.subf %mul3A_349, %convert_element_type3A_362 : vector<16xf32>
    %swap3A_364 = arith.constant 256 : index
    %swap3A_365 = tpu.vector_load %arg12[%swap3A_364] {strides = array<i32>} : memref<272xf32, #tpu.memory_space<vmem>>, vector<16xf32>,
    tpu.vector_store %arg12[%swap3A_364], %sub3A_363 {strides = array<i32>} : memref<272xf32, #tpu.memory_space<vmem>>, vector<16xf32>,
    %dma_wait3A = tpu.memref_slice %arg9[%mul3A_2] : memref<102400xi32, #tpu.memory_space<vmem_shared>> -> memref<6400xi32, #tpu.memory_space<vmem_shared>>
    %dma_wait3A_366 = tpu.memref_slice %arg4[%mul3A_2] : memref<102400xi32, #tpu.memory_space<hbm>> -> memref<6400xi32, #tpu.memory_space<hbm>>
    tpu.wait_dma2 semaphore(%arg23 : memref<!tpu.dma_semaphore, #tpu.memory_space<semaphore_mem>>) src(%dma_wait3A_366 : memref<6400xi32, #tpu.memory_space<hbm>>) dst(%dma_wait3A : memref<6400xi32, #tpu.memory_space<vmem_shared>>)
    %barrier3A = arith.constant 0 : index
    tpu.barrier barrier_id(%barrier3A)
    "tpu.region"() ({
      %run_scoped3A = tpu.sem_alloc : memref<!tpu.dma_semaphore, #tpu.memory_space<semaphore_mem>>
      tpu.enqueue_dma source(%arg9 : memref<102400xi32, #tpu.memory_space<vmem_shared>>) target(%arg8 : memref<102400xi32, #tpu.memory_space<vmem>>) target_semaphore(%run_scoped3A : memref<!tpu.dma_semaphore, #tpu.memory_space<semaphore_mem>>)
      tpu.wait_dma2 semaphore(%run_scoped3A : memref<!tpu.dma_semaphore, #tpu.memory_space<semaphore_mem>>) src(%arg9 : memref<102400xi32, #tpu.memory_space<vmem_shared>>) dst(%arg8 : memref<102400xi32, #tpu.memory_space<vmem>>)
      tpu.yield
    }) : () -> ()
    %scan3A = arith.constant 0 : i32
    %scan3A_367 = arith.constant 0 : i32
    %scan3A_368 = arith.constant 16 : i32
    %scan3A_369 = arith.addi %scan3A_367, %scan3A_368 : i32
    %scan3A_370 = arith.constant 1 : i32
    scf.for %scan3A_384 = %scan3A_367 to %scan3A_369 step %scan3A_370  : i32 {
      %mul3A_385 = arith.constant 2 : i32
      %mul3A_386 = arith.muli %mul3A_385, %scan3A_384 : i32
      %dma_wait3A_387 = arith.constant 0 : i32
      %dma_wait3A_388 = tpu.memref_slice %arg2[%add3A, %dma_wait3A_387] : memref<32x65536xf32, #tpu.memory_space<hbm>> -> memref<1x2048xf32, #tpu.memory_space<hbm>>
      %dma_wait3A_389 = tpu.memref_squeeze %dma_wait3A_388 : memref<1x2048xf32, #tpu.memory_space<hbm>> -> memref<2048xf32, #tpu.memory_space<hbm>>
      %dma_wait3A_390 = arith.constant 0 : i32
      %dma_wait3A_391 = tpu.memref_slice %arg2[%add3A, %dma_wait3A_390] : memref<32x65536xf32, #tpu.memory_space<hbm>> -> memref<1x2048xf32, #tpu.memory_space<hbm>>
      %dma_wait3A_392 = tpu.memref_squeeze %dma_wait3A_391 : memref<1x2048xf32, #tpu.memory_space<hbm>> -> memref<2048xf32, #tpu.memory_space<hbm>>
      tpu.wait_dma2 semaphore(%arg19 : memref<!tpu.dma_semaphore, #tpu.memory_space<semaphore_mem>>) src(%dma_wait3A_392 : memref<2048xf32, #tpu.memory_space<hbm>>) dst(%arg15 : memref<2048xf32, #tpu.memory_space<vmem>>)
      %gt3A = arith.constant 0 : i32
      %gt3A_393 = arith.cmpi sgt, %scan3A_384, %gt3A : i32
      %convert_element_type3A_394 = arith.extui %gt3A_393 : i1 to i32
      %cond3A = arith.constant 0 : i32
      %cond3A_395 = arith.cmpi ne, %convert_element_type3A_394, %cond3A : i32
      scf.if %cond3A_395 {
        %dma_wait3A_437 = arith.constant 0 : i32
        %dma_wait3A_438 = tpu.memref_slice %arg7[%add3A, %dma_wait3A_437] : memref<32x65536xf32, #tpu.memory_space<hbm>> -> memref<1x2048xf32, #tpu.memory_space<hbm>>
        %dma_wait3A_439 = tpu.memref_squeeze %dma_wait3A_438 : memref<1x2048xf32, #tpu.memory_space<hbm>> -> memref<2048xf32, #tpu.memory_space<hbm>>
        %dma_wait3A_440 = arith.constant 0 : i32
        %dma_wait3A_441 = tpu.memref_slice %arg7[%add3A, %dma_wait3A_440] : memref<32x65536xf32, #tpu.memory_space<hbm>> -> memref<1x2048xf32, #tpu.memory_space<hbm>>
        %dma_wait3A_442 = tpu.memref_squeeze %dma_wait3A_441 : memref<1x2048xf32, #tpu.memory_space<hbm>> -> memref<2048xf32, #tpu.memory_space<hbm>>
        tpu.wait_dma2 semaphore(%arg21 : memref<!tpu.dma_semaphore, #tpu.memory_space<semaphore_mem>>) src(%arg17 : memref<2048xf32, #tpu.memory_space<vmem>>) dst(%dma_wait3A_442 : memref<2048xf32, #tpu.memory_space<hbm>>)
      } else {
      }
      %parallel_loop3A = arith.constant 0 : i32
      %parallel_loop3A_396 = arith.constant 8 : i32
      %parallel_loop3A_397 = arith.constant 1 : i32
      scf.for %parallel_loop3A_437 = %parallel_loop3A to %parallel_loop3A_396 step %parallel_loop3A_397  : i32 {
        %parallel_loop3A_438 = arith.constant 8 : i32
        %parallel_loop3A_439 = arith.muli %mul3A_386, %parallel_loop3A_438 : i32
        %parallel_loop3A_440 = arith.addi %parallel_loop3A_439, %parallel_loop3A_437 : i32
        %parallel_loop3A_441 = vector.broadcast %parallel_loop3A_440 : i32 to vector<16xi32>
        %parallel_loop3A_442 = tpu.vector_load_idx %arg11[%parallel_loop3A_441] : memref<272xi32, #tpu.memory_space<vmem>>[vector<16xi32>], vector<16xi32>,
        %parallel_loop3A_443 = tpu.vector_load_idx %arg12[%parallel_loop3A_441] : memref<272xf32, #tpu.memory_space<vmem>>[vector<16xi32>], vector<16xf32>,
        %parallel_loop3A_444 = arith.constant 1 : i32
        %parallel_loop3A_445 = vector.broadcast %parallel_loop3A_444 : i32 to vector<16xi32>
        %parallel_loop3A_446 = arith.addi %parallel_loop3A_441, %parallel_loop3A_445 : vector<16xi32>
        %parallel_loop3A_447 = tpu.vector_load_idx %arg11[%parallel_loop3A_446] : memref<272xi32, #tpu.memory_space<vmem>>[vector<16xi32>], vector<16xi32>,
        %parallel_loop3A_448 = arith.constant 1 : i32
        %parallel_loop3A_449 = vector.broadcast %parallel_loop3A_448 : i32 to vector<16xi32>
        %parallel_loop3A_450 = arith.addi %parallel_loop3A_441, %parallel_loop3A_449 : vector<16xi32>
        %parallel_loop3A_451 = tpu.vector_load_idx %arg12[%parallel_loop3A_450] : memref<272xf32, #tpu.memory_space<vmem>>[vector<16xi32>], vector<16xf32>,
        %parallel_loop3A_452 = arith.constant 1.000000e+00 : f32
        %parallel_loop3A_453 = vector.broadcast %parallel_loop3A_452 : f32 to vector<16xf32>
        %parallel_loop3A_454 = arith.subf %parallel_loop3A_453, %parallel_loop3A_443 : vector<16xf32>
        %parallel_loop3A_455 = arith.constant 1.000000e+00 : f32
        %parallel_loop3A_456 = vector.broadcast %parallel_loop3A_455 : f32 to vector<16xf32>
        %parallel_loop3A_457 = arith.subf %parallel_loop3A_456, %parallel_loop3A_451 : vector<16xf32>
        %parallel_loop3A_458 = tpu.pack_subelements %parallel_loop3A_454, %parallel_loop3A_454 {pack_format = #tpu.pack_format<interleaved>, positions = array<i32: 0, 1>} : vector<16xf32>, vector<16xf32> -> vector<32xbf16>
        %parallel_loop3A_459 = tpu.pack_subelements %parallel_loop3A_443, %parallel_loop3A_443 {pack_format = #tpu.pack_format<interleaved>, positions = array<i32: 0, 1>} : vector<16xf32>, vector<16xf32> -> vector<32xbf16>
        %parallel_loop3A_460 = tpu.pack_subelements %parallel_loop3A_457, %parallel_loop3A_457 {pack_format = #tpu.pack_format<interleaved>, positions = array<i32: 0, 1>} : vector<16xf32>, vector<16xf32> -> vector<32xbf16>
        %parallel_loop3A_461 = tpu.pack_subelements %parallel_loop3A_451, %parallel_loop3A_451 {pack_format = #tpu.pack_format<interleaved>, positions = array<i32: 0, 1>} : vector<16xf32>, vector<16xf32> -> vector<32xbf16>
        %parallel_loop3A_462 = arith.constant 1024 : i32
        %parallel_loop3A_463 = vector.broadcast %parallel_loop3A_462 : i32 to vector<16xi32>
        %parallel_loop3A_464 = arith.addi %parallel_loop3A_442, %parallel_loop3A_463 : vector<16xi32>
        %parallel_loop3A_465 = arith.constant 1024 : i32
        %parallel_loop3A_466 = vector.broadcast %parallel_loop3A_465 : i32 to vector<16xi32>
        %parallel_loop3A_467 = arith.addi %parallel_loop3A_447, %parallel_loop3A_466 : vector<16xi32>
        %parallel_loop3A_468 = arith.constant 256 : i32
        %parallel_loop3A_469 = arith.muli %parallel_loop3A_437, %parallel_loop3A_468 : i32
        %parallel_loop3A_470 = arith.constant 0 : i32
        %parallel_loop3A_471 = arith.constant 256 : i32
        %parallel_loop3A_472 = arith.constant 16 : i32
        scf.for %parallel_loop3A_473 = %parallel_loop3A_470 to %parallel_loop3A_471 step %parallel_loop3A_472  : i32 {
          %parallel_loop3A_474 = arith.addi %parallel_loop3A_469, %parallel_loop3A_473 : i32
          %parallel_loop3A_475 = arith.index_cast %parallel_loop3A_474 : i32 to index
          %parallel_loop3A_476 = tpu.vector_load %arg15[%parallel_loop3A_475] {strides = array<i32>} : memref<2048xf32, #tpu.memory_space<vmem>>, vector<16xf32>,
          %parallel_loop3A_477 = arith.constant 1.024000e+03 : f32
          %parallel_loop3A_478 = vector.broadcast %parallel_loop3A_477 : f32 to vector<16xf32>
          %parallel_loop3A_479 = arith.mulf %parallel_loop3A_476, %parallel_loop3A_478 : vector<16xf32>
          %parallel_loop3A_480 = arith.fptosi %parallel_loop3A_479 : vector<16xf32> to vector<16xi32>
          %parallel_loop3A_481 = arith.sitofp %parallel_loop3A_480 : vector<16xi32> to vector<16xf32>
          %parallel_loop3A_482 = arith.subf %parallel_loop3A_479, %parallel_loop3A_481 : vector<16xf32>
          %parallel_loop3A_483 = arith.constant 1.000000e+00 : f32
          %parallel_loop3A_484 = vector.broadcast %parallel_loop3A_483 : f32 to vector<16xf32>
          %parallel_loop3A_485 = arith.subf %parallel_loop3A_484, %parallel_loop3A_482 : vector<16xf32>
          %parallel_loop3A_486 = arith.addi %parallel_loop3A_442, %parallel_loop3A_480 : vector<16xi32>
          %parallel_loop3A_487 = tpu.vector_load_idx %arg8[%parallel_loop3A_486] : memref<102400xi32, #tpu.memory_space<vmem>>[vector<16xi32>], vector<16xi32>,
          %parallel_loop3A_488 = arith.addi %parallel_loop3A_464, %parallel_loop3A_480 : vector<16xi32>
          %parallel_loop3A_489 = tpu.vector_load_idx %arg8[%parallel_loop3A_488] : memref<102400xi32, #tpu.memory_space<vmem>>[vector<16xi32>], vector<16xi32>,
          %parallel_loop3A_490 = arith.addi %parallel_loop3A_447, %parallel_loop3A_480 : vector<16xi32>
          %parallel_loop3A_491 = tpu.vector_load_idx %arg8[%parallel_loop3A_490] : memref<102400xi32, #tpu.memory_space<vmem>>[vector<16xi32>], vector<16xi32>,
          %parallel_loop3A_492 = arith.addi %parallel_loop3A_467, %parallel_loop3A_480 : vector<16xi32>
          %parallel_loop3A_493 = tpu.vector_load_idx %arg8[%parallel_loop3A_492] : memref<102400xi32, #tpu.memory_space<vmem>>[vector<16xi32>], vector<16xi32>,
          %parallel_loop3A_494 = vector.bitcast %parallel_loop3A_487 : vector<16xi32> to vector<32xbf16>
          %parallel_loop3A_495 = vector.bitcast %parallel_loop3A_489 : vector<16xi32> to vector<32xbf16>
          %parallel_loop3A_496 = vector.bitcast %parallel_loop3A_491 : vector<16xi32> to vector<32xbf16>
          %parallel_loop3A_497 = vector.bitcast %parallel_loop3A_493 : vector<16xi32> to vector<32xbf16>
          %parallel_loop3A_498 = arith.mulf %parallel_loop3A_494, %parallel_loop3A_458 : vector<32xbf16>
          %parallel_loop3A_499 = arith.mulf %parallel_loop3A_495, %parallel_loop3A_459 : vector<32xbf16>
          %parallel_loop3A_500 = arith.addf %parallel_loop3A_498, %parallel_loop3A_499 : vector<32xbf16>
          %parallel_loop3A_501 = arith.mulf %parallel_loop3A_496, %parallel_loop3A_460 : vector<32xbf16>
          %parallel_loop3A_502 = arith.mulf %parallel_loop3A_497, %parallel_loop3A_461 : vector<32xbf16>
          %parallel_loop3A_503 = arith.addf %parallel_loop3A_501, %parallel_loop3A_502 : vector<32xbf16>
          %parallel_loop3A_504 = arith.index_cast %parallel_loop3A_473 : i32 to index
          %parallel_loop3A_505 = tpu.vector_load %arg13[%parallel_loop3A_504] {strides = array<i32>} : memref<256xi32, #tpu.memory_space<vmem>>, vector<16xi32>,
          %parallel_loop3A_506 = vector.bitcast %parallel_loop3A_505 : vector<16xi32> to vector<32xbf16>
          %parallel_loop3A_507 = arith.index_cast %parallel_loop3A_473 : i32 to index
          %parallel_loop3A_508 = tpu.vector_load %arg14[%parallel_loop3A_507] {strides = array<i32>} : memref<256xi32, #tpu.memory_space<vmem>>, vector<16xi32>,
          %parallel_loop3A_509 = vector.bitcast %parallel_loop3A_508 : vector<16xi32> to vector<32xbf16>
          %parallel_loop3A_510 = arith.mulf %parallel_loop3A_500, %parallel_loop3A_509 : vector<32xbf16>
          %parallel_loop3A_511 = arith.mulf %parallel_loop3A_503, %parallel_loop3A_506 : vector<32xbf16>
          %parallel_loop3A_512 = arith.addf %parallel_loop3A_510, %parallel_loop3A_511 : vector<32xbf16>
          %parallel_loop3A_513 = tpu.unpack_subelements %parallel_loop3A_512, 0 {pack_format = #tpu.pack_format<interleaved>} : vector<32xbf16> -> vector<16xf32>
          %parallel_loop3A_514 = tpu.unpack_subelements %parallel_loop3A_512, 1 {pack_format = #tpu.pack_format<interleaved>} : vector<32xbf16> -> vector<16xf32>
          %parallel_loop3A_515 = arith.mulf %parallel_loop3A_513, %parallel_loop3A_485 : vector<16xf32>
          %parallel_loop3A_516 = arith.mulf %parallel_loop3A_514, %parallel_loop3A_482 : vector<16xf32>
          %parallel_loop3A_517 = arith.addf %parallel_loop3A_515, %parallel_loop3A_516 : vector<16xf32>
          %parallel_loop3A_518 = arith.index_cast %parallel_loop3A_474 : i32 to index
          %parallel_loop3A_519 = tpu.vector_load %arg17[%parallel_loop3A_518] {strides = array<i32>} : memref<2048xf32, #tpu.memory_space<vmem>>, vector<16xf32>,
          tpu.vector_store %arg17[%parallel_loop3A_518], %parallel_loop3A_517 {strides = array<i32>} : memref<2048xf32, #tpu.memory_space<vmem>>, vector<16xf32>,
        } {sc.loop_unroll_factor = 2 : i64, sc.parallel_access}
      } {sc.loop_unroll_factor = 2 : i64, sc.parallel_access}
      %mul3A_398 = arith.constant 2048 : i32
      %mul3A_399 = arith.muli %mul3A_386, %mul3A_398 : i32
      %dma_start3A_400 = tpu.memref_slice %arg7[%add3A, %mul3A_399] : memref<32x65536xf32, #tpu.memory_space<hbm>> -> memref<1x2048xf32, #tpu.memory_space<hbm>>
      %dma_start3A_401 = tpu.memref_squeeze %dma_start3A_400 : memref<1x2048xf32, #tpu.memory_space<hbm>> -> memref<2048xf32, #tpu.memory_space<hbm>>
      %dma_start3A_402 = tpu.memref_slice %arg7[%add3A, %mul3A_399] : memref<32x65536xf32, #tpu.memory_space<hbm>> -> memref<1x2048xf32, #tpu.memory_space<hbm>>
      %dma_start3A_403 = tpu.memref_squeeze %dma_start3A_402 : memref<1x2048xf32, #tpu.memory_space<hbm>> -> memref<2048xf32, #tpu.memory_space<hbm>>
      tpu.enqueue_dma source(%arg17 : memref<2048xf32, #tpu.memory_space<vmem>>) target(%dma_start3A_403 : memref<2048xf32, #tpu.memory_space<hbm>>) target_semaphore(%arg21 : memref<!tpu.dma_semaphore, #tpu.memory_space<semaphore_mem>>)
      %lt3A = arith.constant 15 : i32
      %lt3A_404 = arith.cmpi slt, %scan3A_384, %lt3A : i32
      %convert_element_type3A_405 = arith.extui %lt3A_404 : i1 to i32
      %cond3A_406 = arith.constant 0 : i32
      %cond3A_407 = arith.cmpi ne, %convert_element_type3A_405, %cond3A_406 : i32
      scf.if %cond3A_407 {
        %add3A_437 = arith.constant 2 : i32
        %add3A_438 = arith.addi %mul3A_386, %add3A_437 : i32
        %mul3A_439 = arith.constant 2048 : i32
        %mul3A_440 = arith.muli %add3A_438, %mul3A_439 : i32
        %dma_start3A_441 = tpu.memref_slice %arg2[%add3A, %mul3A_440] : memref<32x65536xf32, #tpu.memory_space<hbm>> -> memref<1x2048xf32, #tpu.memory_space<hbm>>
        %dma_start3A_442 = tpu.memref_squeeze %dma_start3A_441 : memref<1x2048xf32, #tpu.memory_space<hbm>> -> memref<2048xf32, #tpu.memory_space<hbm>>
        %dma_start3A_443 = tpu.memref_slice %arg2[%add3A, %mul3A_440] : memref<32x65536xf32, #tpu.memory_space<hbm>> -> memref<1x2048xf32, #tpu.memory_space<hbm>>
        %dma_start3A_444 = tpu.memref_squeeze %dma_start3A_443 : memref<1x2048xf32, #tpu.memory_space<hbm>> -> memref<2048xf32, #tpu.memory_space<hbm>>
        tpu.enqueue_dma source(%dma_start3A_444 : memref<2048xf32, #tpu.memory_space<hbm>>) target(%arg15 : memref<2048xf32, #tpu.memory_space<vmem>>) target_semaphore(%arg19 : memref<!tpu.dma_semaphore, #tpu.memory_space<semaphore_mem>>)
      } else {
      }
      %dma_wait3A_408 = arith.constant 0 : i32
      %dma_wait3A_409 = tpu.memref_slice %arg2[%add3A, %dma_wait3A_408] : memref<32x65536xf32, #tpu.memory_space<hbm>> -> memref<1x2048xf32, #tpu.memory_space<hbm>>
      %dma_wait3A_410 = tpu.memref_squeeze %dma_wait3A_409 : memref<1x2048xf32, #tpu.memory_space<hbm>> -> memref<2048xf32, #tpu.memory_space<hbm>>
      %dma_wait3A_411 = arith.constant 0 : i32
      %dma_wait3A_412 = tpu.memref_slice %arg2[%add3A, %dma_wait3A_411] : memref<32x65536xf32, #tpu.memory_space<hbm>> -> memref<1x2048xf32, #tpu.memory_space<hbm>>
      %dma_wait3A_413 = tpu.memref_squeeze %dma_wait3A_412 : memref<1x2048xf32, #tpu.memory_space<hbm>> -> memref<2048xf32, #tpu.memory_space<hbm>>
      tpu.wait_dma2 semaphore(%arg20 : memref<!tpu.dma_semaphore, #tpu.memory_space<semaphore_mem>>) src(%dma_wait3A_413 : memref<2048xf32, #tpu.memory_space<hbm>>) dst(%arg16 : memref<2048xf32, #tpu.memory_space<vmem>>)
      %gt3A_414 = arith.constant 0 : i32
      %gt3A_415 = arith.cmpi sgt, %scan3A_384, %gt3A_414 : i32
      %convert_element_type3A_416 = arith.extui %gt3A_415 : i1 to i32
      %cond3A_417 = arith.constant 0 : i32
      %cond3A_418 = arith.cmpi ne, %convert_element_type3A_416, %cond3A_417 : i32
      scf.if %cond3A_418 {
        %dma_wait3A_437 = arith.constant 0 : i32
        %dma_wait3A_438 = tpu.memref_slice %arg7[%add3A, %dma_wait3A_437] : memref<32x65536xf32, #tpu.memory_space<hbm>> -> memref<1x2048xf32, #tpu.memory_space<hbm>>
        %dma_wait3A_439 = tpu.memref_squeeze %dma_wait3A_438 : memref<1x2048xf32, #tpu.memory_space<hbm>> -> memref<2048xf32, #tpu.memory_space<hbm>>
        %dma_wait3A_440 = arith.constant 0 : i32
        %dma_wait3A_441 = tpu.memref_slice %arg7[%add3A, %dma_wait3A_440] : memref<32x65536xf32, #tpu.memory_space<hbm>> -> memref<1x2048xf32, #tpu.memory_space<hbm>>
        %dma_wait3A_442 = tpu.memref_squeeze %dma_wait3A_441 : memref<1x2048xf32, #tpu.memory_space<hbm>> -> memref<2048xf32, #tpu.memory_space<hbm>>
        tpu.wait_dma2 semaphore(%arg22 : memref<!tpu.dma_semaphore, #tpu.memory_space<semaphore_mem>>) src(%arg18 : memref<2048xf32, #tpu.memory_space<vmem>>) dst(%dma_wait3A_442 : memref<2048xf32, #tpu.memory_space<hbm>>)
      } else {
      }
      %add3A_419 = arith.constant 1 : i32
      %add3A_420 = arith.addi %mul3A_386, %add3A_419 : i32
      %parallel_loop3A_421 = arith.constant 0 : i32
      %parallel_loop3A_422 = arith.constant 8 : i32
      %parallel_loop3A_423 = arith.constant 1 : i32
      scf.for %parallel_loop3A_437 = %parallel_loop3A_421 to %parallel_loop3A_422 step %parallel_loop3A_423  : i32 {
        %parallel_loop3A_438 = arith.constant 8 : i32
        %parallel_loop3A_439 = arith.muli %add3A_420, %parallel_loop3A_438 : i32
        %parallel_loop3A_440 = arith.addi %parallel_loop3A_439, %parallel_loop3A_437 : i32
        %parallel_loop3A_441 = vector.broadcast %parallel_loop3A_440 : i32 to vector<16xi32>
        %parallel_loop3A_442 = tpu.vector_load_idx %arg11[%parallel_loop3A_441] : memref<272xi32, #tpu.memory_space<vmem>>[vector<16xi32>], vector<16xi32>,
        %parallel_loop3A_443 = tpu.vector_load_idx %arg12[%parallel_loop3A_441] : memref<272xf32, #tpu.memory_space<vmem>>[vector<16xi32>], vector<16xf32>,
        %parallel_loop3A_444 = arith.constant 1 : i32
        %parallel_loop3A_445 = vector.broadcast %parallel_loop3A_444 : i32 to vector<16xi32>
        %parallel_loop3A_446 = arith.addi %parallel_loop3A_441, %parallel_loop3A_445 : vector<16xi32>
        %parallel_loop3A_447 = tpu.vector_load_idx %arg11[%parallel_loop3A_446] : memref<272xi32, #tpu.memory_space<vmem>>[vector<16xi32>], vector<16xi32>,
        %parallel_loop3A_448 = arith.constant 1 : i32
        %parallel_loop3A_449 = vector.broadcast %parallel_loop3A_448 : i32 to vector<16xi32>
        %parallel_loop3A_450 = arith.addi %parallel_loop3A_441, %parallel_loop3A_449 : vector<16xi32>
        %parallel_loop3A_451 = tpu.vector_load_idx %arg12[%parallel_loop3A_450] : memref<272xf32, #tpu.memory_space<vmem>>[vector<16xi32>], vector<16xf32>,
        %parallel_loop3A_452 = arith.constant 1.000000e+00 : f32
        %parallel_loop3A_453 = vector.broadcast %parallel_loop3A_452 : f32 to vector<16xf32>
        %parallel_loop3A_454 = arith.subf %parallel_loop3A_453, %parallel_loop3A_443 : vector<16xf32>
        %parallel_loop3A_455 = arith.constant 1.000000e+00 : f32
        %parallel_loop3A_456 = vector.broadcast %parallel_loop3A_455 : f32 to vector<16xf32>
        %parallel_loop3A_457 = arith.subf %parallel_loop3A_456, %parallel_loop3A_451 : vector<16xf32>
        %parallel_loop3A_458 = tpu.pack_subelements %parallel_loop3A_454, %parallel_loop3A_454 {pack_format = #tpu.pack_format<interleaved>, positions = array<i32: 0, 1>} : vector<16xf32>, vector<16xf32> -> vector<32xbf16>
        %parallel_loop3A_459 = tpu.pack_subelements %parallel_loop3A_443, %parallel_loop3A_443 {pack_format = #tpu.pack_format<interleaved>, positions = array<i32: 0, 1>} : vector<16xf32>, vector<16xf32> -> vector<32xbf16>
        %parallel_loop3A_460 = tpu.pack_subelements %parallel_loop3A_457, %parallel_loop3A_457 {pack_format = #tpu.pack_format<interleaved>, positions = array<i32: 0, 1>} : vector<16xf32>, vector<16xf32> -> vector<32xbf16>
        %parallel_loop3A_461 = tpu.pack_subelements %parallel_loop3A_451, %parallel_loop3A_451 {pack_format = #tpu.pack_format<interleaved>, positions = array<i32: 0, 1>} : vector<16xf32>, vector<16xf32> -> vector<32xbf16>
        %parallel_loop3A_462 = arith.constant 1024 : i32
        %parallel_loop3A_463 = vector.broadcast %parallel_loop3A_462 : i32 to vector<16xi32>
        %parallel_loop3A_464 = arith.addi %parallel_loop3A_442, %parallel_loop3A_463 : vector<16xi32>
        %parallel_loop3A_465 = arith.constant 1024 : i32
        %parallel_loop3A_466 = vector.broadcast %parallel_loop3A_465 : i32 to vector<16xi32>
        %parallel_loop3A_467 = arith.addi %parallel_loop3A_447, %parallel_loop3A_466 : vector<16xi32>
        %parallel_loop3A_468 = arith.constant 256 : i32
        %parallel_loop3A_469 = arith.muli %parallel_loop3A_437, %parallel_loop3A_468 : i32
        %parallel_loop3A_470 = arith.constant 0 : i32
        %parallel_loop3A_471 = arith.constant 256 : i32
        %parallel_loop3A_472 = arith.constant 16 : i32
        scf.for %parallel_loop3A_473 = %parallel_loop3A_470 to %parallel_loop3A_471 step %parallel_loop3A_472  : i32 {
          %parallel_loop3A_474 = arith.addi %parallel_loop3A_469, %parallel_loop3A_473 : i32
          %parallel_loop3A_475 = arith.index_cast %parallel_loop3A_474 : i32 to index
          %parallel_loop3A_476 = tpu.vector_load %arg16[%parallel_loop3A_475] {strides = array<i32>} : memref<2048xf32, #tpu.memory_space<vmem>>, vector<16xf32>,
          %parallel_loop3A_477 = arith.constant 1.024000e+03 : f32
          %parallel_loop3A_478 = vector.broadcast %parallel_loop3A_477 : f32 to vector<16xf32>
          %parallel_loop3A_479 = arith.mulf %parallel_loop3A_476, %parallel_loop3A_478 : vector<16xf32>
          %parallel_loop3A_480 = arith.fptosi %parallel_loop3A_479 : vector<16xf32> to vector<16xi32>
          %parallel_loop3A_481 = arith.sitofp %parallel_loop3A_480 : vector<16xi32> to vector<16xf32>
          %parallel_loop3A_482 = arith.subf %parallel_loop3A_479, %parallel_loop3A_481 : vector<16xf32>
          %parallel_loop3A_483 = arith.constant 1.000000e+00 : f32
          %parallel_loop3A_484 = vector.broadcast %parallel_loop3A_483 : f32 to vector<16xf32>
          %parallel_loop3A_485 = arith.subf %parallel_loop3A_484, %parallel_loop3A_482 : vector<16xf32>
          %parallel_loop3A_486 = arith.addi %parallel_loop3A_442, %parallel_loop3A_480 : vector<16xi32>
          %parallel_loop3A_487 = tpu.vector_load_idx %arg8[%parallel_loop3A_486] : memref<102400xi32, #tpu.memory_space<vmem>>[vector<16xi32>], vector<16xi32>,
          %parallel_loop3A_488 = arith.addi %parallel_loop3A_464, %parallel_loop3A_480 : vector<16xi32>
          %parallel_loop3A_489 = tpu.vector_load_idx %arg8[%parallel_loop3A_488] : memref<102400xi32, #tpu.memory_space<vmem>>[vector<16xi32>], vector<16xi32>,
          %parallel_loop3A_490 = arith.addi %parallel_loop3A_447, %parallel_loop3A_480 : vector<16xi32>
          %parallel_loop3A_491 = tpu.vector_load_idx %arg8[%parallel_loop3A_490] : memref<102400xi32, #tpu.memory_space<vmem>>[vector<16xi32>], vector<16xi32>,
          %parallel_loop3A_492 = arith.addi %parallel_loop3A_467, %parallel_loop3A_480 : vector<16xi32>
          %parallel_loop3A_493 = tpu.vector_load_idx %arg8[%parallel_loop3A_492] : memref<102400xi32, #tpu.memory_space<vmem>>[vector<16xi32>], vector<16xi32>,
          %parallel_loop3A_494 = vector.bitcast %parallel_loop3A_487 : vector<16xi32> to vector<32xbf16>
          %parallel_loop3A_495 = vector.bitcast %parallel_loop3A_489 : vector<16xi32> to vector<32xbf16>
          %parallel_loop3A_496 = vector.bitcast %parallel_loop3A_491 : vector<16xi32> to vector<32xbf16>
          %parallel_loop3A_497 = vector.bitcast %parallel_loop3A_493 : vector<16xi32> to vector<32xbf16>
          %parallel_loop3A_498 = arith.mulf %parallel_loop3A_494, %parallel_loop3A_458 : vector<32xbf16>
          %parallel_loop3A_499 = arith.mulf %parallel_loop3A_495, %parallel_loop3A_459 : vector<32xbf16>
          %parallel_loop3A_500 = arith.addf %parallel_loop3A_498, %parallel_loop3A_499 : vector<32xbf16>
          %parallel_loop3A_501 = arith.mulf %parallel_loop3A_496, %parallel_loop3A_460 : vector<32xbf16>
          %parallel_loop3A_502 = arith.mulf %parallel_loop3A_497, %parallel_loop3A_461 : vector<32xbf16>
          %parallel_loop3A_503 = arith.addf %parallel_loop3A_501, %parallel_loop3A_502 : vector<32xbf16>
          %parallel_loop3A_504 = arith.index_cast %parallel_loop3A_473 : i32 to index
          %parallel_loop3A_505 = tpu.vector_load %arg13[%parallel_loop3A_504] {strides = array<i32>} : memref<256xi32, #tpu.memory_space<vmem>>, vector<16xi32>,
          %parallel_loop3A_506 = vector.bitcast %parallel_loop3A_505 : vector<16xi32> to vector<32xbf16>
          %parallel_loop3A_507 = arith.index_cast %parallel_loop3A_473 : i32 to index
          %parallel_loop3A_508 = tpu.vector_load %arg14[%parallel_loop3A_507] {strides = array<i32>} : memref<256xi32, #tpu.memory_space<vmem>>, vector<16xi32>,
          %parallel_loop3A_509 = vector.bitcast %parallel_loop3A_508 : vector<16xi32> to vector<32xbf16>
          %parallel_loop3A_510 = arith.mulf %parallel_loop3A_500, %parallel_loop3A_509 : vector<32xbf16>
          %parallel_loop3A_511 = arith.mulf %parallel_loop3A_503, %parallel_loop3A_506 : vector<32xbf16>
          %parallel_loop3A_512 = arith.addf %parallel_loop3A_510, %parallel_loop3A_511 : vector<32xbf16>
          %parallel_loop3A_513 = tpu.unpack_subelements %parallel_loop3A_512, 0 {pack_format = #tpu.pack_format<interleaved>} : vector<32xbf16> -> vector<16xf32>
          %parallel_loop3A_514 = tpu.unpack_subelements %parallel_loop3A_512, 1 {pack_format = #tpu.pack_format<interleaved>} : vector<32xbf16> -> vector<16xf32>
          %parallel_loop3A_515 = arith.mulf %parallel_loop3A_513, %parallel_loop3A_485 : vector<16xf32>
          %parallel_loop3A_516 = arith.mulf %parallel_loop3A_514, %parallel_loop3A_482 : vector<16xf32>
          %parallel_loop3A_517 = arith.addf %parallel_loop3A_515, %parallel_loop3A_516 : vector<16xf32>
          %parallel_loop3A_518 = arith.index_cast %parallel_loop3A_474 : i32 to index
          %parallel_loop3A_519 = tpu.vector_load %arg18[%parallel_loop3A_518] {strides = array<i32>} : memref<2048xf32, #tpu.memory_space<vmem>>, vector<16xf32>,
          tpu.vector_store %arg18[%parallel_loop3A_518], %parallel_loop3A_517 {strides = array<i32>} : memref<2048xf32, #tpu.memory_space<vmem>>, vector<16xf32>,
        } {sc.loop_unroll_factor = 2 : i64, sc.parallel_access}
      } {sc.loop_unroll_factor = 2 : i64, sc.parallel_access}
      %add3A_424 = arith.constant 1 : i32
      %add3A_425 = arith.addi %mul3A_386, %add3A_424 : i32
      %mul3A_426 = arith.constant 2048 : i32
      %mul3A_427 = arith.muli %add3A_425, %mul3A_426 : i32
      %dma_start3A_428 = tpu.memref_slice %arg7[%add3A, %mul3A_427] : memref<32x65536xf32, #tpu.memory_space<hbm>> -> memref<1x2048xf32, #tpu.memory_space<hbm>>
      %dma_start3A_429 = tpu.memref_squeeze %dma_start3A_428 : memref<1x2048xf32, #tpu.memory_space<hbm>> -> memref<2048xf32, #tpu.memory_space<hbm>>
      %dma_start3A_430 = tpu.memref_slice %arg7[%add3A, %mul3A_427] : memref<32x65536xf32, #tpu.memory_space<hbm>> -> memref<1x2048xf32, #tpu.memory_space<hbm>>
      %dma_start3A_431 = tpu.memref_squeeze %dma_start3A_430 : memref<1x2048xf32, #tpu.memory_space<hbm>> -> memref<2048xf32, #tpu.memory_space<hbm>>
      tpu.enqueue_dma source(%arg18 : memref<2048xf32, #tpu.memory_space<vmem>>) target(%dma_start3A_431 : memref<2048xf32, #tpu.memory_space<hbm>>) target_semaphore(%arg22 : memref<!tpu.dma_semaphore, #tpu.memory_space<semaphore_mem>>)
      %lt3A_432 = arith.constant 15 : i32
      %lt3A_433 = arith.cmpi slt, %scan3A_384, %lt3A_432 : i32
      %convert_element_type3A_434 = arith.extui %lt3A_433 : i1 to i32
      %cond3A_435 = arith.constant 0 : i32
      %cond3A_436 = arith.cmpi ne, %convert_element_type3A_434, %cond3A_435 : i32
      scf.if %cond3A_436 {
        %add3A_437 = arith.constant 3 : i32
        %add3A_438 = arith.addi %mul3A_386, %add3A_437 : i32
        %mul3A_439 = arith.constant 2048 : i32
        %mul3A_440 = arith.muli %add3A_438, %mul3A_439 : i32
        %dma_start3A_441 = tpu.memref_slice %arg2[%add3A, %mul3A_440] : memref<32x65536xf32, #tpu.memory_space<hbm>> -> memref<1x2048xf32, #tpu.memory_space<hbm>>
        %dma_start3A_442 = tpu.memref_squeeze %dma_start3A_441 : memref<1x2048xf32, #tpu.memory_space<hbm>> -> memref<2048xf32, #tpu.memory_space<hbm>>
        %dma_start3A_443 = tpu.memref_slice %arg2[%add3A, %mul3A_440] : memref<32x65536xf32, #tpu.memory_space<hbm>> -> memref<1x2048xf32, #tpu.memory_space<hbm>>
        %dma_start3A_444 = tpu.memref_squeeze %dma_start3A_443 : memref<1x2048xf32, #tpu.memory_space<hbm>> -> memref<2048xf32, #tpu.memory_space<hbm>>
        tpu.enqueue_dma source(%dma_start3A_444 : memref<2048xf32, #tpu.memory_space<hbm>>) target(%arg16 : memref<2048xf32, #tpu.memory_space<vmem>>) target_semaphore(%arg20 : memref<!tpu.dma_semaphore, #tpu.memory_space<semaphore_mem>>)
      } else {
      }
    }
    %scan3A_371 = arith.constant 16 : i32
    %dma_wait3A_372 = arith.constant 0 : i32
    %dma_wait3A_373 = tpu.memref_slice %arg7[%add3A, %dma_wait3A_372] : memref<32x65536xf32, #tpu.memory_space<hbm>> -> memref<1x2048xf32, #tpu.memory_space<hbm>>
    %dma_wait3A_374 = tpu.memref_squeeze %dma_wait3A_373 : memref<1x2048xf32, #tpu.memory_space<hbm>> -> memref<2048xf32, #tpu.memory_space<hbm>>
    %dma_wait3A_375 = arith.constant 0 : i32
    %dma_wait3A_376 = tpu.memref_slice %arg7[%add3A, %dma_wait3A_375] : memref<32x65536xf32, #tpu.memory_space<hbm>> -> memref<1x2048xf32, #tpu.memory_space<hbm>>
    %dma_wait3A_377 = tpu.memref_squeeze %dma_wait3A_376 : memref<1x2048xf32, #tpu.memory_space<hbm>> -> memref<2048xf32, #tpu.memory_space<hbm>>
    tpu.wait_dma2 semaphore(%arg21 : memref<!tpu.dma_semaphore, #tpu.memory_space<semaphore_mem>>) src(%arg17 : memref<2048xf32, #tpu.memory_space<vmem>>) dst(%dma_wait3A_377 : memref<2048xf32, #tpu.memory_space<hbm>>)
    %dma_wait3A_378 = arith.constant 0 : i32
    %dma_wait3A_379 = tpu.memref_slice %arg7[%add3A, %dma_wait3A_378] : memref<32x65536xf32, #tpu.memory_space<hbm>> -> memref<1x2048xf32, #tpu.memory_space<hbm>>
    %dma_wait3A_380 = tpu.memref_squeeze %dma_wait3A_379 : memref<1x2048xf32, #tpu.memory_space<hbm>> -> memref<2048xf32, #tpu.memory_space<hbm>>
    %dma_wait3A_381 = arith.constant 0 : i32
    %dma_wait3A_382 = tpu.memref_slice %arg7[%add3A, %dma_wait3A_381] : memref<32x65536xf32, #tpu.memory_space<hbm>> -> memref<1x2048xf32, #tpu.memory_space<hbm>>
    %dma_wait3A_383 = tpu.memref_squeeze %dma_wait3A_382 : memref<1x2048xf32, #tpu.memory_space<hbm>> -> memref<2048xf32, #tpu.memory_space<hbm>>
    tpu.wait_dma2 semaphore(%arg22 : memref<!tpu.dma_semaphore, #tpu.memory_space<semaphore_mem>>) src(%arg18 : memref<2048xf32, #tpu.memory_space<vmem>>) dst(%dma_wait3A_383 : memref<2048xf32, #tpu.memory_space<hbm>>)
    return
  }
}

</mosaic_0001>

<sc_bundles>
// kernel: _run.3.cloned.1.call-start
scs
__scs_entry_jumppad:
0x0: {  	(pc) =	sbr.rel $0x88, $3  }
0x1: {  	(tag) =	ssettag $0x0;
	lr =	simm.s32 $0x1  }
0x2: {  	[smem:$0x3F9C] =	sst lr;
	_ =	strace $0xD0000000  }
0x3: {  	_ = 	snop  }
0x4: {  	_ = 	snop  }
0x5: {  	_ = 	snop  }
0x6: {  	_ = 	snop  }
0x7: {  	_ = 	snop  }
__scs_overlays_trampoline_lowered:
0x8: {  	[smem:$0x3FAB] =	sst s0  }
0x9: {  	[smem:$0x3FAC] =	sst s1  }
0xa: {  	[smem:$0x3FAD] =	sst s2  }
0xb: {  	[smem:$0x3FAE] =	sst s3  }
0xc: {  	[smem:$0x3FAF] =	sst s4  }
0xd: {  	[smem:$0x3FB0] =	sst s5  }
0xe: {  	[smem:$0x3FB1] =	sst s6  }
0xf: {  	[smem:$0x3FB2] =	sst s7  }
0x10: {  	[smem:$0x3FB3] =	sst s8  }
0x11: {  	[smem:$0x3FB4] =	sst s9;
	s0 =	simm.s32 @!p0 $0x0  }
0x12: {  	s1 =	sld [smem:$0x3F9A];
	s0 =	simm.s32 @p0 $0x1  }
0x13: {  	[smem:$0x3FB5] =	sst s0;
	s0 =	simm.s32 @!p1 $0x0  }
0x14: {  	s2 =	sld [smem:$0x3F99];
	s0 =	simm.s32 @p1 $0x1  }
0x15: {  	[smem:$0x3FB6] =	sst s0;
	s0 =	simm.s32 @!p2 $0x0  }
0x16: {  	s3 =	sld [smem:$0x3FDB];
	s0 =	simm.s32 @p2 $0x1  }
0x17: {  	s4 =	simm.s32 $0x1BF5;
	[smem:$0x3FB8] =	sst s0  }
0x18: {  	s0 =	sld [smem:$0x3F9B];
	_ =	swait.ge [sflag:s4], $0x0  }
0x19: {  	s7 =	sld [smem:$0x3F9C]  }
0x1a: {  	s8 =	sadd.s32 $0xFFFFE003, lr  }
0x1b: {  	s9 =	sadd.s32 $0xFFFFFEF7, lr;
	s5 =	simm.s32 $0xFFFFFFFF;
	p2 =	slt.u32 s8, $0xFFFFF086  }
0x1c: {  	p1 =	slt.u32 s9, $0xF7A;
	s5 =	simm.s32 @!p2 $0x0  }
0x1d: {  	s5 =	simm.s32 @p1 $0x1;
	p0 =	seq.s32 s7, s2  }
0x1e: {  	s7 =	smul.u32 @!p0 $0xF7A, s2;
	p2 =	seq.s32 @!p0 s5, $0x0  }
0x1f: {  	s9 =	smul.u32 $0xF7A, s1;
	s8 =	simm.s32 @!p0 $0x1BF5;
	p2 =	por !p2, p0  }
0x20: {  	[sflag:s8] =	ssyncset.s32 @!p0 $0xFFFFF086;
	s6 =	sadd.s32 @!p0 s3, s7;
	s7 =	simm.s32 @!p0 $0x108  }
0x21: {  	s3 =	sadd.s32 s3, s9;
	s6 =	sadd.s32 @!p0 $0x88, s6;
	s7 =	simm.s32 @p2 $0x1082  }
0x22: {  	[simem:s7], [sflag:s8] =	dma.local @!p0 [hbm:s6], $0xF7A  }
0x23: {  	s9 =	sor.u32 $0xD0000000, s2;
	s6 =	simm.s32 $0x108;
	_ =	swait.ge @!p0 [sflag:s8], $0x0  }
0x24: {  	s3 =	sadd.s32 $0x88, s3;
	s6 =	simm.s32 @!p1 $0x1082;
	[sflag:s4] =	ssyncset.s32 $0xFFFFF086  }
0x25: {  	[simem:s6], [sflag:s4] =	dma.local [hbm:s3], $0xF7A  }
0x26: {  	[smem:$0x3F9C] =	sst s1;
	(tag) =	ssettag s2;
	_ =	strace s9  }
0x27: {  	s1 =	sld [smem:$0x3FAC]  }
0x28: {  	s2 =	sld [smem:$0x3FAD]  }
0x29: {  	s4 =	sld [smem:$0x3FAF]  }
0x2a: {  	p0 =	seq.s32 s5, $0x0;
	s5 =	sld [smem:$0x3FB0]  }
0x2b: {  	s6 =	sld [smem:$0x3FB1]  }
0x2c: {  	s7 =	sld [smem:$0x3FB2]  }
0x2d: {  	s3 =	simm.s32 $0x108;
	s8 =	sld [smem:$0x3FB3]  }
0x2e: {  	s3 =	simm.s32 @!p0 $0x1082;
	s9 =	sld [smem:$0x3FB4]  }
0x2f: {  	lr =	sadd.s32 s0, s3;
	s0 =	sld [smem:$0x3FAB]  }
0x30: {  	s3 =	sld [smem:$0x3FAE]  }
0x31: {  	[smem:$0x3FB7] =	sst s10  }
0x32: {  	s10 =	sld [smem:$0x3FB5];
	_ =	sdelay $0x3  }
0x33: {  	p0 =	seq.s32 s10, $0x1;
	s10 =	sld [smem:$0x3FB7];
	_ =	sdelay $0x3  }
0x34: {  	[smem:$0x3FB7] =	sst s10  }
0x35: {  	s10 =	sld [smem:$0x3FB6];
	_ =	sdelay $0x3  }
0x36: {  	p1 =	seq.s32 s10, $0x1;
	s10 =	sld [smem:$0x3FB7];
	_ =	sdelay $0x3  }
0x37: {  	[smem:$0x3FB7] =	sst s10  }
0x38: {  	s10 =	sld [smem:$0x3FB8]  }
0x39: {  	_ = 	snop;
	(pc) =	sbr.ind lr, $3  }
0x3a: {  	_ = 	snop  }
0x3b: {  	_ = 	snop  }
0x3c: {  	p2 =	seq.s32 s10, $0x1;
	s10 =	sld [smem:$0x3FB7]  }
0x3d: {  	_ =	shalt  }
0x3e: {  	_ =	shalt  }
0x3f: {  	_ =	shalt  }
0x40: {  	_ =	shalt  }
0x41: {  	_ =	shalt  }
0x42: {  	_ =	shalt  }
0x43: {  	_ =	shalt  }
0x44: {  	_ =	shalt  }
0x45: {  	_ =	shalt  }
0x46: {  	_ =	shalt  }
0x47: {  	_ =	shalt  }
0x48: {  	_ =	shalt  }
0x49: {  	_ =	shalt  }
0x4a: {  	_ =	shalt  }
0x4b: {  	_ =	shalt  }
0x4c: {  	_ =	shalt  }
0x4d: {  	_ =	shalt  }
0x4e: {  	_ =	shalt  }
0x4f: {  	_ =	shalt  }
0x50: {  	_ =	shalt  }
0x51: {  	_ =	shalt  }
0x52: {  	_ =	shalt  }
0x53: {  	_ =	shalt  }
0x54: {  	_ =	shalt  }
0x55: {  	_ =	shalt  }
0x56: {  	_ =	shalt  }
0x57: {  	_ =	shalt  }
0x58: {  	_ =	shalt  }
0x59: {  	_ =	shalt  }
0x5a: {  	_ =	shalt  }
0x5b: {  	_ =	shalt  }
0x5c: {  	_ =	shalt  }
0x5d: {  	_ =	shalt  }
0x5e: {  	_ =	shalt  }
0x5f: {  	_ =	shalt  }
0x60: {  	_ =	shalt  }
0x61: {  	_ =	shalt  }
0x62: {  	_ =	shalt  }
0x63: {  	_ =	shalt  }
0x64: {  	_ =	shalt  }
0x65: {  	_ =	shalt  }
0x66: {  	_ =	shalt  }
0x67: {  	_ =	shalt  }
0x68: {  	_ =	shalt  }
0x69: {  	_ =	shalt  }
0x6a: {  	_ =	shalt  }
0x6b: {  	_ =	shalt  }
0x6c: {  	_ =	shalt  }
0x6d: {  	_ =	shalt  }
0x6e: {  	_ =	shalt  }
0x6f: {  	_ =	shalt  }
0x70: {  	_ =	shalt  }
0x71: {  	_ =	shalt  }
0x72: {  	_ =	shalt  }
0x73: {  	_ =	shalt  }
0x74: {  	_ =	shalt  }
0x75: {  	_ =	shalt  }
0x76: {  	_ =	shalt  }
0x77: {  	_ =	shalt  }
0x78: {  	_ =	shalt  }
0x79: {  	_ =	shalt  }
0x7a: {  	_ =	shalt  }
0x7b: {  	_ =	shalt  }
0x7c: {  	_ =	shalt  }
0x7d: {  	_ =	shalt  }
0x7e: {  	_ =	shalt  }
0x7f: {  	_ =	shalt  }
0x80: {  	_ =	shalt  }
0x81: {  	_ =	shalt  }
0x82: {  	_ =	shalt  }
0x83: {  	_ =	shalt  }
0x84: {  	_ =	shalt  }
0x85: {  	_ =	shalt  }
0x86: {  	_ =	shalt  }
0x87: {  	_ =	shalt  }
.Lfunc_end0:
.L_simem_size_0:
called_computation_lowered:
.L_overlay_start_0:
0x88: {  	s2 =	sld [smem:$0x3FD9]  }
0x89: {  	s3 =	sld [smem:$0x3FFE];
	_ =	sdelay $0x1  }
0x8a: {  	s1 =	srdreg.scid  }
0x8b: {  	s0 =	sand.u32 $0x1, s1  }
0x8c: {  	s18 =	sshll.u32 s0, $0xA;
	s2 =	sadd.s32 s3, s2  }
0x8d: {  	s2 =	sadd.s32 s2, s18  }
0x8e: {  	[smem:$0x3FC3] =	sst s2  }
0x8f: {  	_ = 	snop  }
0x90: {  	s2 =	sld [smem:$0x3FC9]  }
0x91: {  	s19 =	sld [smem:$0x3FC8]  }
0x92: {  	s4 =	sld [smem:$0x3FC7]  }
0x93: {  	s5 =	sld [smem:$0x3FC6]  }
0x94: {  	s6 =	sld [smem:$0x3FC5]  }
0x95: {  	s7 =	sld [smem:$0x3FD0];
	(tm) =	ssettm $0x1  }
0x96: {  	s8 =	sld [smem:$0x3FFB];
	_ =	sdelay $0x3  }
0x97: {  	_ =	strace s8  }
0x98: {  	s8 =	sld [smem:$0x3FFC];
	_ =	sdelay $0x3  }
0x99: {  	_ =	strace s8  }
0x9a: {  	s8 =	sld [smem:$0x3FFD];
	_ =	sdelay $0x3  }
0x9b: {  	_ =	strace s8  }
0x9c: {  	_ =	strace $0x8FFFFFFF  }
0x9d: {  	s20 =	sld [smem:$0x3FDB];
	_ =	sdelay $0x1  }
0x9e: {  	s9 =	simm.s32 $_scs_section_size  }
0x9f: {  	s10 =	simm.s32 $_size__tile_overlayer_lowered;
	s11 =	simm.s32 $_tile_overlayer_lowered  }
0xa0: {  	s23 =	simm.s32 $0x1BFF;
	s22 =	sshll.u32 s11, $0x1;
	s8 =	sadd.s32 s9, s20  }
0xa1: {  	s12 =	simm.s32 $0x0;
	s21 =	sshll.u32 s10, $0x1;
	s10 =	sadd.s32 s22, s8  }
0xa2: {  	[timem:s12], [sflag:s23] =	dma.local [hbm:s10], s21  }
0xa3: {  	_ =	swait.ge [sflag:s23], s21  }
0xa4: {  	s9 =	ssub.s32 $0x0, s21;
	[sflag:s23] =	ssyncset.done $0x0  }
0xa5: {  	[sflag:s23] =	ssyncadd.s32 s9;
	_ =	sdelay $0x1  }
0xa6: {  	s24 =	simm.s32 $0x1B8B  }
0xa7: {  	_ =	swait.ge [sflag:s24], $0x1  }
0xa8: {  	[sflag:s24] =	ssyncset.done $0x0  }
0xa9: {  	s25 =	simm.s32 $0x1B8E;
	[sflag:s24] =	ssyncadd.s32 $0xFFFFFFFF  }
0xaa: {  	s26 =	simm.s32 $execute0_lowered;
	[smem:$0x3FD2] =	sst s25  }
0xab: {  	s9 =	sshll.u32 s26, $0x1;
	_ =	strace $0x80000046;
	[dreg:$0x1] =	wrdreg $0xFFFFFFFF  }
0xac: {  	s28 =	simm.s32 $_size_execute0_lowered;
	s8 =	sadd.s32 s8, s9;
	[dreg:$0x0] =	wrdreg $0x0  }
0xad: {  	s9 =	sshll.u32 s28, $0x1;
	[dreg:$0x2] =	wrdreg s8  }
0xae: {  	[dreg:$0x3] =	wrdreg s9  }
0xaf: {  	[dreg:$0x4] =	wrdreg $0xC0  }
0xb0: {  	_ =	task [dreg:s12], $0x5FFFF  }
0xb1: {  	[dreg:$0x1] =	wrdreg $0xFFFFFFFF  }
0xb2: {  	[dreg:$0x0] =	wrdreg $0x60  }
0xb3: {  	[dreg:$0x2] =	wrdreg s2  }
0xb4: {  	[dreg:$0x3] =	wrdreg s19  }
0xb5: {  	[dreg:$0x4] =	wrdreg s4  }
0xb6: {  	[dreg:$0x5] =	wrdreg s5  }
0xb7: {  	[dreg:$0x6] =	wrdreg s6  }
0xb8: {  	[dreg:$0x7] =	wrdreg s7  }
0xb9: {  	[dreg:$0x8] =	wrdreg $0x190000  }
0xba: {  	[dreg:$0x9] =	wrdreg $0x9  }
0xbb: {  	_ =	task.clear_ibuf [dreg:s12], $0xAFFFF;
	_ =	strace $0x90000046  }
0xbc: {  	s29 =	simm.s32 $0x9;
	_ =	strace $0x80000048  }
0xbd: {  	_ =	swait.ge [sflag:s29], $0x1  }
0xbe: {  	[sflag:s29] =	ssyncadd.s32 $0xFFFFFFFF  }
0xbf: {  	_ =	strace $0x90000048  }
0xc0: {  	_ =	sfence  }
0xc1: {  	s30 =	sld [smem:$0x0];
	_ =	sdelay $0x2  }
0xc2: {  	s31 =	sshll.u32 s1, $0xD;
	s1 =	sshrl.u32 s1, $0x2  }
0xc3: {  	s3 =	sand.u32 $0x4000, s31;
	s1 =	sadd.s32 s1, s30  }
0xc4: {  	s0 =	sor.u32 s3, s0;
	s1 =	sshll.u32 s1, $0x11  }
0xc5: {  	s0 =	sor.u32 s1, s0  }
0xc6: {  	s0 =	sadd.s32 $0x8F2B, s0  }
0xc7: {  	[sflag:s0] =	ssyncadd.remote.s32 $0x1  }
0xc8: {  	_ =	sfence.sel $0xFFFF  }
0xc9: {  	[dreg:$0x0] =	wrdreg $0xFFFFFFFF;
	(pc) =	sbr.abs _section_cstart, $3  }
0xca: {  	[dreg:$0x1] =	wrdreg $0xFFFFFFFF  }
0xcb: {  	_ =	task.clear_ibuf [dreg:s12], $0x2FFFF;
	_ =	strace $0x9FFFFFFF  }
0xcc: {  	(tm) =	ssettm $0x7FFFFFFF  }
0xcd: {  	_ =	shalt  }
tec
execute0_lowered:
.L_overlay_start_1:
0x0: {  	(tag) =	ssettag $0x1  }
0x1: {  	s0 =	rddreg [dreg:$0x0]  }
0x2: {  	s1 =	rddreg [dreg:$0x1]  }
0x3: {  	s2 =	rddreg [dreg:$0x2]  }
0x4: {  	s5 =	rddreg [dreg:$0x5]  }
0x5: {  	s13 =	rddreg [dreg:$0x6]  }
0x6: {  	s3 =	srdreg.scid;
	s12 =	stileid.u32  }
0x7: {  	s7 =	simm.s32 $0x0;
	s17 =	simm.s32 $0x80;
	s18 =	simm.s32 $0x400  }
0x8: {  	s20 =	simm.s32 $0x1B780;
	s28 =	simm.s32 $0x1;
	s29 =	simm.s32 $0x1AA80  }
0x9: {  	s30 =	simm.s32 $0x1AC00;
	s31 =	simm.s32 $0x1BF80;
	s3 =	sand.u32 $0x1, s3  }
0xa: {  	s4 =	sshll.u32 s12, $0x8;
	s6 =	sshrl.u32 s12, $0x2;
	[smem:$0x7FF] =	sst s7  }
0xb: {  	s21 =	smul.u32 $0x1900, s12;
	s23 =	sshll.u32 s12, $0x6;
	s8 =	sshll.u32 s3, $0x7  }
0xc: {  	s4 =	sand.u32 $0x300, s4;
	s9 =	sshll.u32 s6, $0x13;
	s3 =	ssub.s32 $0x2, s3  }
0xd: {  	s6 =	smul.u32 $0xC00, s6;
	_ =	strace $0x80000047;
	s4 =	sor.u32 s8, s4  }
0xe: {  	s11 =	sshrl.u32 s3, $0x1;
	s22 =	sadd.s32 s21, s13;
	s8 =	sor.u32 s9, s4  }
0xf: {  	s3 =	ssub.s32 s3, s11;
	s9 =	sshrl.u32 s21, $0x3;
	s26 =	sshrl.u32 s22, $0x3  }
0x10: {  	s4 =	sor.u32 s6, s4;
	s2 =	sadd.s32 s2, s9;
	[dreg:$0xf] =	wrdreg s26  }
0x11: {  	s6 =	simm.s32 $0x0;
	s24 =	sor.u32 $0x8000, s8;
	[dreg:$0xa] =	wrdreg s2  }
0x12: {  	s10 =	sshrl.u32 s8, $0x3;
	s25 =	smax.u32 s3, $0x1;
	[dreg:$0xd] =	wrdreg s24  }
.Ltmp0:
0x13: {  	s10 =	sadd.s32 s0, s10;
	[dreg:$0xe] =	wrdreg s25;
	(pc) =	sbr.rel .LBB2_1-.Ltmp0, $4  }
0x14: {  	s4 =	sshrl.u32 s4, $0x3;
	s2 =	sor.u32 $0x1C05, s23;
	[dreg:$0x8] =	wrdreg s10  }
0x15: {  	s15 =	sor.u32 $0xC000, s8;
	s1 =	sadd.s32 s1, s4;
	[dreg:$0xb] =	wrdreg s2  }
0x16: {  	s3 =	simm.s32 $0x4;
	s10 =	sadd.s32 $0x800, s10;
	[dreg:$0xc] =	wrdreg s1  }
0x17: {  	s1 =	simm.s32 $0x2;
	s2 =	simm.s32 $0x1C780;
	[dreg:$0x9] =	wrdreg s10  }
.LBB2_20:
0x18: {  	s4 =	simm.s32 $0x3  }
0x19: {  	_ =	swait.ge [sflag:s4], $0x800  }
0x1a: {  	[sflag:s4] =	ssyncset.done $0x0  }
0x1b: {  	[sflag:s4] =	ssyncadd.s32 $0xFFFFF800  }
0x1c: {  	_ =	swait.ge [sflag:s3], $0x800  }
0x1d: {  	s6 =	rddreg [dreg:$0x10]  }
0x1e: {  	s26 =	rddreg [dreg:$0xe];
	s6 =	sadd.s32 $0x1, s6  }
0x1f: {  	p0 =	sne.s32 s6, s26  }
.Ltmp1:
0x20: {  	_ = 	snop;
	(pc) =	sbr.rel @!p0 .LBB2_21-.Ltmp1, $3  }
0x21: {  	_ =	sdelay $0x1  }
0x22: {  	[sflag:s3] =	ssyncset.done $0x0  }
0x23: {  	[sflag:s3] =	ssyncadd.s32 $0xFFFFF800  }
.LBB2_1:
0x24: {  	[dreg:$0x10] =	wrdreg s6  }
0x25: {  	s4 =	rddreg [dreg:$0x8]  }
0x26: {  	s12 =	rddreg [dreg:$0x9]  }
0x27: {  	s13 =	rddreg [dreg:$0xa]  }
0x28: {  	s11 =	simm.s32 $0x1AF80;
	s14 =	rddreg [dreg:$0xb]  }
0x29: {  	[tilespmem:s11], [sflag:$0x1] =	stream.strided.gather [hbm4b:s4+s17], $0x800, s18, s17, $0x38;
	[tilespmem:$0x1CF80] =	vst v63  }
0x2a: {  	s9 =	rddreg [dreg:$0xf]  }
0x2b: {  	[tilespmem:s20], [sflag:$0x2] =	stream.strided.gather [hbm4b:s12+s17], $0x800, s18, s17, $0x38;
	[tilespmem:$0x1CF80] =	vst v63  }
0x2c: {  	[spmem:s9], [sflag:s14] =	dma.local [hbm:s13], $0x320  }
0x2d: {  	s16 =	simm.s32 $0x1AD80;
	s19 =	simm.s32 $0x6;
	s4 =	rddreg [dreg:$0x3]  }
0x2e: {  	[tilespmem:s16], [sflag:$0x6] =	stream.linear.gather [hbm4b:s4+s7], $0x100, $0x38;
	[tilespmem:$0x1CF80] =	vst v63  }
0x2f: {  	_ =	swait.ge [sflag:s19], $0x100  }
0x30: {  	[sflag:s19] =	ssyncset.done $0x0  }
0x31: {  	[sflag:s19] =	ssyncadd.s32 $0xFFFFFF00  }
0x32: {  	s22 =	simm.s32 $0x1AE80;
	s21 =	rddreg [dreg:$0x4]  }
0x33: {  	[tilespmem:s22], [sflag:$0x6] =	stream.linear.gather [hbm4b:s21+s7], $0x100, $0x38;
	[tilespmem:$0x1CF80] =	vst v63  }
0x34: {  	_ =	swait.ge [sflag:s19], $0x100  }
0x35: {  	[sflag:s19] =	ssyncset.done $0x0  }
0x36: {  	s24 =	simm.s32 $0x1A900;
	s23 =	rddreg [dreg:$0xc];
	[sflag:s19] =	ssyncadd.s32 $0xFFFFFF00  }
0x37: {  	[tilespmem:s24], [sflag:$0x6] =	stream.strided.gather [hbm4b:s23+s17], $0x180, s18, s17, $0x38;
	[tilespmem:$0x1CF80] =	vst v63  }
0x38: {  	_ =	swait.ge [sflag:s19], $0x180  }
0x39: {  	[sflag:s19] =	ssyncset.done $0x0  }
0x3a: {  	[sflag:s19] =	ssyncadd.s32 $0xFFFFFE80  }
0x3b: {  	v0 =	vld [tilespmem:$0x1A900]  }
0x3c: {  	v1 =	vld [tilespmem:$0x1A910]  }
0x3d: {  	v2 =	vld [tilespmem:$0x1A920]  }
0x3e: {  	v6 =	vld [tilespmem:$0x1A930]  }
0x3f: {  	v7 =	vld [tilespmem:$0x1A940]  }
0x40: {  	v8 =	vld [tilespmem:$0x1A950]  }
0x41: {  	v13 =	vld [tilespmem:$0x1A960]  }
0x42: {  	v14 =	vld [tilespmem:$0x1A970]  }
0x43: {  	v19 =	vld [tilespmem:$0x1A990]  }
0x44: {  	v49 =	vld [tilespmem:$0x1A9A0]  }
0x45: {  	v52 =	vld [tilespmem:$0x1A9B0]  }
0x46: {  	v55 =	vld [tilespmem:$0x1A9C0];
	v0 =	vmul.f32 $9.900000000e+01, v0;
	v1 =	vmul.f32 $9.900000000e+01, v1  }
0x47: {  	v23 =	vld [tilespmem:$0x1A9D0];
	v2 =	vmul.f32 $9.900000000e+01, v2;
	v6 =	vmul.f32 $9.900000000e+01, v6  }
0x48: {  	v7 =	vmul.f32 $9.900000000e+01, v7;
	v8 =	vmul.f32 $9.900000000e+01, v8  }
0x49: {  	v13 =	vmul.f32 $9.900000000e+01, v13;
	v14 =	vmul.f32 $9.900000000e+01, v14  }
0x4a: {  	v19 =	vmul.f32 $9.900000000e+01, v19;
	v59 =	vmul.f32 $9.900000000e+01, v49  }
0x4b: {  	v60 =	vmul.f32 $9.900000000e+01, v52;
	v63 =	vmul.f32 $9.900000000e+01, v55  }
0x4c: {  	v31 =	vmul.f32 $9.900000000e+01, v23;
	v3 =	vtrunc.f32 v0  }
0x4d: {  	v4 =	vtrunc.f32 v1;
	v5 =	vtrunc.f32 v2  }
0x4e: {  	v40 =	vtrunc.f32 v6;
	v12 =	vtrunc.f32 v7  }
0x4f: {  	v42 =	vtrunc.f32 v8;
	v44 =	vtrunc.f32 v13  }
0x50: {  	v18 =	vtrunc.f32 v14;
	v58 =	vtrunc.f32 v19  }
0x51: {  	v62 =	vtrunc.f32 v59;
	v20 =	vtrunc.f32 v60  }
0x52: {  	v22 =	vtrunc.f32 v63;
	v37 =	vtrunc.f32 v31  }
0x53: {  	v3 =	vcvt.f32.s32 v3;
	v4 =	vcvt.f32.s32 v4  }
0x54: {  	v5 =	vcvt.f32.s32 v5;
	v41 =	vcvt.f32.s32 v12  }
0x55: {  	v12 =	vcvt.f32.s32 v42;
	v45 =	vcvt.f32.s32 v18  }
0x56: {  	v21 =	vcvt.f32.s32 v20;
	v39 =	vcvt.f32.s32 v37  }
0x57: {  	vm0 =	vgt.s32 v3, $0x0;
	vm12 =	vgt.s32 v4, $0x0;
	vm13 =	vgt.s32 v5, $0x0  }
0x58: {  	vm15 =	vgt.s32 v41, $0x0;
	vm4 =	vgt.s32 v12, $0x0;
	vm6 =	vgt.s32 v45, $0x0  }
0x59: {  	vm10 =	vgt.s32 v21, $0x0;
	v3 =	vnsel vm0, $0x0, v3;
	v4 =	vnsel vm12, $0x0, v4  }
0x5a: {  	v5 =	vnsel vm13, $0x0, v5;
	v12 =	vnsel vm4, $0x0, v12;
	v51 =	vnsel vm6, $0x0, v45  }
0x5b: {  	v27 =	vnsel vm10, $0x0, v21;
	vm12 =	vgt.s32 v39, $0x0;
	v3 =	vmin.u32 v3, $0x62  }
0x5c: {  	v43 =	vld [tilespmem:$0x1A980];
	v4 =	vmin.u32 v4, $0x62;
	v5 =	vmin.u32 v5, $0x62;
	v12 =	vmin.u32 v12, $0x62  }
0x5d: {  	v32 =	vld [tilespmem:$0x1A9F0];
	v9 =	vcvt.s32.f32 v3;
	v10 =	vcvt.s32.f32 v4;
	v3 =	vshll.u32 v3, $0xA  }
0x5e: {  	v11 =	vcvt.s32.f32 v5;
	v4 =	vshll.u32 v4, $0xA;
	v5 =	vshll.u32 v5, $0xA  }
0x5f: {  	v17 =	vcvt.s32.f32 v12;
	v12 =	vshll.u32 v12, $0xA;
	[tilespmem:$0x1AA80] =	vst v3;
	v3 =	vmin.u32 v27, $0x62  }
0x60: {  	v38 =	vld [tilespmem:$0x1AA00];
	v0 =	vsub.f32 v0, v9;
	v9 =	vcvt.f32.s32 v40;
	v1 =	vsub.f32 v1, v10  }
0x61: {  	v2 =	vsub.f32 v2, v11;
	v10 =	vnsel vm15, $0x0, v41;
	v11 =	vmul.f32 $9.900000000e+01, v43  }
0x62: {  	v25 =	vld [tilespmem:$0x1A9E0];
	[tilespmem:$0x1AA90] =	vst v4;
	v47 =	vsub.f32 v8, v17;
	v8 =	vmin.u32 v51, $0x62;
	v43 =	vmul.f32 $9.900000000e+01, v32  }
0x63: {  	[tilespmem:$0x1AAA0] =	vst v5;
	v10 =	vmin.u32 v10, $0x62;
	v56 =	vcvt.s32.f32 v8;
	v8 =	vshll.u32 v8, $0xA  }
0x64: {  	vm14 =	vgt.s32 v9, $0x0;
	v16 =	vcvt.s32.f32 v10;
	v46 =	vtrunc.f32 v11;
	[tilespmem:$0x1AC20] =	vst v2  }
0x65: {  	v10 =	vshll.u32 v10, $0xA;
	v2 =	vcvt.f32.s32 v58;
	[tilespmem:$0x1AC50] =	vst v47;
	v47 =	vmul.f32 $9.900000000e+01, v38  }
0x66: {  	[tilespmem:$0x1AC10] =	vst v1;
	v9 =	vnsel vm14, $0x0, v9;
	v18 =	vcvt.f32.s32 v46;
	v1 =	vsub.f32 v14, v56  }
0x67: {  	[tilespmem:$0x1AAC0] =	vst v10;
	v10 =	vmul.f32 $9.900000000e+01, v25;
	v46 =	vtrunc.f32 v43;
	v9 =	vmin.u32 v9, $0x62  }
0x68: {  	[tilespmem:$0x1AAD0] =	vst v12;
	v7 =	vsub.f32 v7, v16;
	vm8 =	vgt.s32 v2, $0x0;
	v49 =	vcvt.f32.s32 v46  }
0x69: {  	[tilespmem:$0x1AC00] =	vst v0;
	v51 =	vtrunc.f32 v47;
	v15 =	vcvt.s32.f32 v9;
	v9 =	vshll.u32 v9, $0xA  }
0x6a: {  	[tilespmem:$0x1AAF0] =	vst v8;
	vm7 =	vgt.s32 v18, $0x0;
	v2 =	vnsel vm8, $0x0, v2;
	v41 =	vtrunc.f32 v10  }
0x6b: {  	[tilespmem:$0x1AC70] =	vst v1;
	v54 =	vnsel vm7, $0x0, v18;
	v18 =	vcvt.f32.s32 v62;
	v2 =	vmin.u32 v2, $0x62  }
0x6c: {  	[tilespmem:$0x1AAB0] =	vst v9;
	v42 =	vcvt.f32.s32 v41;
	vm14 =	vgt.s32 v49, $0x0;
	v6 =	vsub.f32 v6, v15  }
0x6d: {  	[tilespmem:$0x1AC40] =	vst v7;
	v15 =	vcvt.f32.s32 v44;
	v28 =	vcvt.s32.f32 v2;
	v2 =	vshll.u32 v2, $0xA  }
0x6e: {  	v17 =	vmin.u32 v54, $0x62;
	v44 =	vshll.u32 v3, $0xA;
	v54 =	vnsel vm14, $0x0, v49;
	[tilespmem:$0x1AB10] =	vst v2  }
0x6f: {  	v57 =	vcvt.s32.f32 v17;
	v61 =	vshll.u32 v17, $0xA;
	vm9 =	vgt.s32 v18, $0x0;
	[tilespmem:$0x1AB30] =	vst v44  }
0x70: {  	vm13 =	vgt.s32 v42, $0x0;
	vm5 =	vgt.s32 v15, $0x0;
	[tilespmem:$0x1AC30] =	vst v6;
	v33 =	vsub.f32 v19, v28  }
0x71: {  	v24 =	vnsel vm9, $0x0, v18;
	[tilespmem:$0x1AB00] =	vst v61;
	v1 =	vnsel vm13, $0x0, v42;
	v5 =	vsub.f32 v11, v57  }
0x72: {  	v48 =	vnsel vm5, $0x0, v15;
	v26 =	vmin.u32 v24, $0x62;
	v1 =	vmin.u32 v1, $0x62;
	[tilespmem:$0x1AC90] =	vst v33  }
0x73: {  	v50 =	vmin.u32 v48, $0x62;
	v52 =	vcvt.s32.f32 v1;
	v1 =	vshll.u32 v1, $0xA;
	[tilespmem:$0x1AC80] =	vst v5  }
0x74: {  	v56 =	vmin.u32 v54, $0x62;
	v30 =	vcvt.s32.f32 v26;
	v0 =	vshll.u32 v50, $0xA;
	[tilespmem:$0x1AB60] =	vst v1  }
0x75: {  	v6 =	vcvt.f32.s32 v51;
	v11 =	vcvt.f32.s32 v22;
	[tilespmem:$0x1AAE0] =	vst v0;
	v0 =	vshll.u32 v26, $0xA  }
0x76: {  	v5 =	vnsel vm12, $0x0, v39;
	v36 =	vsub.f32 v59, v30;
	v59 =	vshll.u32 v56, $0xA;
	[tilespmem:$0x1AB20] =	vst v0  }
0x77: {  	vm15 =	vgt.s32 v6, $0x0;
	v53 =	vcvt.s32.f32 v50;
	v48 =	vmin.u32 v5, $0x62;
	[tilespmem:$0x1AB70] =	vst v59  }
0x78: {  	v57 =	vnsel vm15, $0x0, v6;
	v55 =	vsub.f32 v10, v52;
	v0 =	vshll.u32 v48, $0xA;
	[tilespmem:$0x1ACA0] =	vst v36  }
0x79: {  	v34 =	vcvt.s32.f32 v3;
	vm11 =	vgt.s32 v11, $0x0;
	v58 =	vmin.u32 v57, $0x62;
	[tilespmem:$0x1AB50] =	vst v0  }
0x7a: {  	v29 =	vnsel vm11, $0x0, v11;
	v4 =	vsub.f32 v13, v53;
	v62 =	vshll.u32 v58, $0xA;
	[tilespmem:$0x1ACE0] =	vst v55  }
0x7b: {  	v7 =	vmin.u32 v29, $0x62;
	v50 =	vcvt.s32.f32 v48;
	[tilespmem:$0x1AB80] =	vst v62  }
0x7c: {  	v35 =	vcvt.s32.f32 v7;
	v45 =	vshll.u32 v7, $0xA;
	[tilespmem:$0x1AC60] =	vst v4;
	v4 =	vsub.f32 v60, v34  }
0x7d: {  	v61 =	vcvt.s32.f32 v58;
	[tilespmem:$0x1AB40] =	vst v45;
	v53 =	vsub.f32 v31, v50  }
0x7e: {  	v40 =	vsub.f32 v63, v35;
	[tilespmem:$0x1ACB0] =	vst v4;
	v4 =	vcvt.s32.f32 v56  }
0x7f: {  	v63 =	vsub.f32 v47, v61;
	[tilespmem:$0x1ACD0] =	vst v53  }
0x80: {  	[tilespmem:$0x1ACC0] =	vst v40;
	v60 =	vsub.f32 v43, v4  }
0x81: {  	[tilespmem:$0x1AD00] =	vst v63  }
0x82: {  	s25 =	simm.s32 $0x5;
	[tilespmem:$0x1ACF0] =	vst v60  }
0x83: {  	_ =	swait.ge [sflag:s25], $0x320  }
0x84: {  	[sflag:s25] =	ssyncset.done $0x0  }
0x85: {  	[sflag:s25] =	ssyncadd.s32 $0xFFFFFCE0  }
0x86: {  	[bflag:$0x0] =	sbarrier.arrive $0xFFFF  }
0x87: {  	s26 =	rddreg [dreg:$0x6]  }
0x88: {  	[tilespmem:s7], [sflag:$0x6] =	stream.linear.gather [spmem:s26], $0x19000, $0x38;
	[tilespmem:$0x1CF80] =	vst v63  }
0x89: {  	_ =	swait.ge [sflag:s19], $0x19000  }
0x8a: {  	[sflag:s19] =	ssyncset.done $0x0  }
0x8b: {  	s24 =	simm.s32 $0x0;
	[sflag:s19] =	ssyncadd.s32 $0xFFFE7000  }
.LBB2_2:
0x8c: {  	_ =	swait.ge [sflag:s28], $0x800  }
0x8d: {  	p0 =	seq.s32 s24, $0x0;
	[sflag:s28] =	ssyncset.done $0x0  }
0x8e: {  	s6 =	sshll.u32 s24, $0x1;
	s4 =	simm.s32 @!p0 $0x3;
	[sflag:s28] =	ssyncadd.s32 $0xFFFFF800  }
0x8f: {  	s25 =	sshll.u32 s24, $0x4;
	s16 =	simm.s32 $0x0;
	_ =	swait.ge @!p0 [sflag:s4], $0x800  }
0x90: {  	s10 =	simm.s32 $0x1BF90;
	s11 =	simm.s32 $0x1AF90;
	[sflag:s4] =	ssyncset.done @!p0 $0x0  }
0x91: {  	s12 =	simm.s32 $0x1C090;
	s13 =	simm.s32 $0x1B090;
	[sflag:s4] =	ssyncadd.s32 @!p0 $0xFFFFF800  }
.LBB2_3:
0x92: {  	s26 =	sor.u32 s25, s16  }
0x93: {  	v1 =	vld [tilespmem:s11+$0xFFFFFFF0];
	v0 =	vmov s26  }
0x94: {  	v3 =	vld [tilespmem:s11+$0x0]  }
0x95: {  	v2 =	vor.u32 $0x1, v0;
	_ =	sdelay $0x2  }
0x96: {  	v9 =	vmul.f32 $1.024000000e+03, v1;
	v4 =	vld.idx.msk [tilespmem:v0+s29+$0x0], $0xffff  }
0x97: {  	v10 =	vmul.f32 $1.024000000e+03, v3  }
0x98: {  	s4 =	sadd.s32 $0x20, s11;
	v5 =	vld.idx.msk [tilespmem:v2+s29+$0x0], $0xffff;
	v1 =	vtrunc.f32 v9  }
0x99: {  	v13 =	vld [tilespmem:s4+$0xFFFFFFF0];
	v7 =	vtrunc.f32 v10;
	v1 =	vcvt.f32.s32 v1  }
0x9a: {  	s9 =	simm.s32 $0x1AE90;
	v17 =	vld [tilespmem:s4+$0x0];
	v11 =	vcvt.f32.s32 v7  }
0x9b: {  	v25 =	vld [tilespmem:s9+$0x0];
	v3 =	vadd.s32 v1, v4  }
0x9c: {  	v0 =	vld.idx.msk [tilespmem:v0+s30+$0x0], $0xffff;
	v15 =	vadd.s32 v11, v4  }
0x9d: {  	v12 =	vld.idx.msk [tilespmem:v2+s30+$0x0], $0xffff;
	v6 =	vadd.s32 $0x400, v4;
	v7 =	vadd.s32 v1, v5  }
0x9e: {  	s14 =	simm.s32 $0x1AD90;
	v27 =	vld [tilespmem:s9+$0xFFFFFFF0];
	v2 =	vadd.s32 v1, v6  }
0x9f: {  	v28 =	vld [tilespmem:s14+$0x0];
	v13 =	vmul.f32 $1.024000000e+03, v13;
	v14 =	vadd.s32 v11, v5;
	v8 =	vadd.s32 $0x400, v5  }
0xa0: {  	v18 =	vadd.s32 v1, v8;
	v16 =	vld.idx.msk [tilespmem:v3+s7+$0x0], $0xffff  }
0xa1: {  	v24 =	vtrunc.f32 v13;
	v23 =	vcvt.s32.f32 v1;
	v20 =	vadd.s32 v11, v8;
	v15 =	vld.idx.msk [tilespmem:v15+s7+$0x0], $0xffff  }
0xa2: {  	v22 =	vadd.s32 v11, v6;
	v3 =	vsub.f32 $1.000000000e+00, v0;
	v19 =	vld.idx.msk [tilespmem:v7+s7+$0x0], $0xffff;
	v7 =	vsub.f32 $1.000000000e+00, v12  }
0xa3: {  	v26 =	vsub.f32 v9, v23;
	v1 =	vpack.i.f32.bf16 v12, v12;
	v21 =	vld.idx.msk [tilespmem:v2+s7+$0x0], $0xffff;
	v12 =	vcvt.f32.s32 v24  }
0xa4: {  	v14 =	vld.idx.msk [tilespmem:v14+s7+$0x0], $0xffff;
	v2 =	vpack.i.f32.bf16 v3, v3;
	v3 =	vpack.i.f32.bf16 v7, v7;
	v7 =	vmul.f32 $1.024000000e+03, v17  }
0xa5: {  	v11 =	vcvt.s32.f32 v11;
	v36 =	vsub.f32 $1.000000000e+00, v26;
	v17 =	vld.idx.msk [tilespmem:v18+s7+$0x0], $0xffff;
	v29 =	vadd.s32 v12, v5  }
0xa6: {  	v0 =	vpack.i.f32.bf16 v0, v0;
	v9 =	vmul.bf16 v16, v2;
	v16 =	vld.idx.msk [tilespmem:v20+s7+$0x0], $0xffff;
	v18 =	vtrunc.f32 v7  }
0xa7: {  	v22 =	vld.idx.msk [tilespmem:v22+s7+$0x0], $0xffff;
	v23 =	vadd.s32 v12, v6;
	v20 =	vadd.s32 v12, v4;
	v18 =	vcvt.f32.s32 v18  }
0xa8: {  	v30 =	vld [tilespmem:s14+$0xFFFFFFF0];
	s21 =	sadd.s32 $0x20, s4;
	v24 =	vadd.s32 v12, v8;
	v15 =	vmul.bf16 v15, v2;
	v21 =	vmul.bf16 v21, v0  }
0xa9: {  	v32 =	vld [tilespmem:s21+$0xFFFFFFF0];
	v19 =	vmul.bf16 v19, v3;
	v14 =	vmul.bf16 v14, v3;
	v31 =	vadd.s32 v18, v4  }
0xaa: {  	v17 =	vmul.bf16 v17, v1;
	v33 =	vadd.s32 v18, v6;
	v9 =	vadd.bf16 v21, v9;
	v29 =	vld.idx.msk [tilespmem:v29+s7+$0x0], $0xffff  }
0xab: {  	v34 =	vadd.s32 v18, v5;
	v35 =	vadd.s32 v18, v8;
	v21 =	vld [tilespmem:s21+$0x0];
	v16 =	vmul.bf16 v16, v1  }
0xac: {  	v17 =	vadd.bf16 v17, v19;
	v19 =	vld.idx.msk [tilespmem:v20+s7+$0x0], $0xffff;
	v20 =	vmul.bf16 v22, v0;
	v22 =	vmul.bf16 v27, v9  }
0xad: {  	v9 =	vadd.bf16 v16, v14;
	v16 =	vcvt.s32.f32 v12;
	v14 =	vcvt.s32.f32 v18  }
0xae: {  	v37 =	vld.idx.msk [tilespmem:v23+s7+$0x0], $0xffff;
	v17 =	vmul.bf16 v17, v30;
	v12 =	vsub.f32 v10, v11;
	v15 =	vadd.bf16 v20, v15  }
0xaf: {  	v27 =	vld.idx.msk [tilespmem:v24+s7+$0x0], $0xffff;
	v11 =	vmul.f32 $1.024000000e+03, v32;
	v23 =	vmul.bf16 v29, v3;
	v10 =	vsub.f32 v13, v16  }
0xb0: {  	v20 =	vld.idx.msk [tilespmem:v34+s7+$0x0], $0xffff;
	v16 =	vmul.bf16 v9, v28;
	v9 =	vmul.f32 $1.024000000e+03, v21;
	v28 =	vadd.bf16 v17, v22  }
0xb1: {  	v63 =	vld.idx.msk [tilespmem:v31+s7+$0x0], $0xffff;
	v17 =	vmul.bf16 v25, v15;
	v13 =	vtrunc.f32 v11;
	v18 =	vsub.f32 $1.000000000e+00, v12  }
0xb2: {  	v31 =	vld.idx.msk [tilespmem:v35+s7+$0x0], $0xffff;
	v21 =	vmul.bf16 v19, v2;
	v13 =	vcvt.f32.s32 v13;
	v38 =	vunpack.i.l.bf16.f32 v28  }
0xb3: {  	s4 =	simm.s32 $0x1AEB0;
	v30 =	vld.idx.msk [tilespmem:v33+s7+$0x0], $0xffff;
	v22 =	vadd.bf16 v16, v17;
	v19 =	vtrunc.f32 v9;
	v16 =	vunpack.i.u.bf16.f32 v28  }
0xb4: {  	v34 =	vld [tilespmem:s4+$0xFFFFFFF0];
	v32 =	vadd.s32 v13, v4;
	v24 =	vadd.s32 v13, v6;
	v29 =	vmul.f32 v16, v26  }
0xb5: {  	s23 =	simm.s32 $0x1ADB0;
	v15 =	vld [tilespmem:s4+$0x0];
	v16 =	vadd.s32 v13, v8;
	v19 =	vcvt.f32.s32 v19;
	v35 =	vmul.f32 v38, v36  }
0xb6: {  	s22 =	simm.s32 $0x40;
	v17 =	vld [tilespmem:s23+$0x0];
	v33 =	vadd.s32 v13, v5;
	v36 =	vmul.bf16 v37, v0;
	v28 =	vmul.bf16 v20, v3  }
0xb7: {  	s9 =	smov.u32 s10;
	s19 =	sadd.s32 $0x20, s21;
	s21 =	smov.u32 s10;
	v26 =	vld [tilespmem:s23+$0xFFFFFFF0];
	v25 =	vmul.bf16 v63, v2;
	v37 =	vunpack.i.u.bf16.f32 v22;
	v20 =	vadd.s32 v19, v4  }
.LBB2_4:
0xb8: {  	v38 =	vld [tilespmem:s19+$0xFFFFFFF0];
	s22 =	sadd.s32 $0x20, s22;
	v39 =	vadd.s32 v19, v6;
	v40 =	vadd.s32 v19, v5;
	v12 =	vmul.f32 v37, v12;
	s21 =	sadd.s32 $0x20, s21  }
0xb9: {  	v37 =	vadd.s32 v19, v8;
	v27 =	vmul.bf16 v27, v1;
	p1 =	slt.u32 s22, $0xE0;
	v32 =	vld.idx.msk [tilespmem:v32+s7+$0x0], $0xffff;
	v21 =	vadd.bf16 v36, v21  }
0xba: {  	v29 =	vadd.f32 v35, v29;
	v22 =	vunpack.i.l.bf16.f32 v22;
	v31 =	vmul.bf16 v31, v1;
	v36 =	vld [tilespmem:s19+$0x0]  }
0xbb: {  	v18 =	vmul.f32 v22, v18;
	v23 =	vadd.bf16 v27, v23;
	v27 =	vmul.bf16 v30, v0;
	v33 =	vld.idx.msk [tilespmem:v33+s7+$0x0], $0xffff  }
0xbc: {  	v35 =	vsub.f32 $1.000000000e+00, v10;
	v22 =	vadd.bf16 v31, v28;
	v41 =	vld.idx.msk [tilespmem:v24+s7+$0x0], $0xffff;
	v21 =	vmul.bf16 v34, v21;
	[tilespmem:s9+$0xFFFFFFF0] =	vst v29  }
0xbd: {  	v13 =	vcvt.s32.f32 v13;
	v19 =	vcvt.s32.f32 v19;
	v18 =	vadd.f32 v18, v12;
	v28 =	vld.idx.msk [tilespmem:v40+s7+$0x0], $0xffff  }
0xbe: {  	v12 =	vsub.f32 v7, v14;
	v7 =	vmovc v9;
	v23 =	vmul.bf16 v23, v26;
	v24 =	vadd.bf16 v27, v25  }
0xbf: {  	s23 =	sadd.s32 $0x20, s23;
	s4 =	sadd.s32 $0x20, s4;
	v14 =	vmovc v19;
	v25 =	vsub.f32 v11, v13;
	v11 =	vmul.f32 $1.024000000e+03, v38;
	v17 =	vmul.bf16 v22, v17;
	[tilespmem:s9+$0x0] =	vst v18;
	s9 =	smov.u32 s21  }
0xc0: {  	v19 =	vadd.bf16 v23, v21;
	v22 =	vmul.bf16 v15, v24;
	v9 =	vmul.f32 $1.024000000e+03, v36;
	v20 =	vld.idx.msk [tilespmem:v20+s7+$0x0], $0xffff  }
0xc1: {  	v21 =	vmul.bf16 v32, v2;
	v13 =	vtrunc.f32 v11;
	v18 =	vsub.f32 $1.000000000e+00, v12;
	v15 =	vld [tilespmem:s4+$0x0]  }
0xc2: {  	v13 =	vcvt.f32.s32 v13;
	v34 =	vunpack.i.l.bf16.f32 v19;
	v22 =	vadd.bf16 v17, v22;
	v27 =	vld.idx.msk [tilespmem:v16+s7+$0x0], $0xffff  }
.Ltmp2:
0xc3: {  	v23 =	vmul.bf16 v33, v3;
	v26 =	vtrunc.f32 v9;
	v16 =	vunpack.i.u.bf16.f32 v19;
	v17 =	vld [tilespmem:s23+$0x0];
	(pc) =	sbr.rel @p1 .LBB2_4-.Ltmp2, $4  }
0xc4: {  	v32 =	vadd.s32 v13, v4;
	v24 =	vadd.s32 v13, v6;
	v29 =	vmul.f32 v16, v10;
	v31 =	vld.idx.msk [tilespmem:v37+s7+$0x0], $0xffff  }
0xc5: {  	v19 =	vcvt.f32.s32 v26;
	v28 =	vmul.bf16 v28, v3;
	v16 =	vadd.s32 v13, v8;
	v10 =	vmovc v25;
	v30 =	vld.idx.msk [tilespmem:v39+s7+$0x0], $0xffff  }
0xc6: {  	v35 =	vmul.f32 v34, v35;
	v33 =	vadd.s32 v13, v5;
	v25 =	vmul.bf16 v20, v2;
	v26 =	vld [tilespmem:s23+$0xFFFFFFF0]  }
0xc7: {  	s19 =	sadd.s32 $0x20, s19;
	v36 =	vmul.bf16 v41, v0;
	v37 =	vunpack.i.u.bf16.f32 v22;
	v20 =	vadd.s32 v19, v4;
	v34 =	vld [tilespmem:s4+$0xFFFFFFF0]  }
0xc8: {  	_ =	sdelay $0x2  }
0xc9: {  	v4 =	vadd.s32 v19, v5;
	v5 =	vadd.s32 v19, v6;
	v6 =	vmul.f32 v37, v12  }
0xca: {  	v12 =	vmul.bf16 v27, v1;
	v27 =	vld.idx.msk [tilespmem:v32+s7+$0x0], $0xffff;
	v8 =	vadd.s32 v19, v8;
	v22 =	vunpack.i.l.bf16.f32 v22  }
0xcb: {  	v16 =	vld.idx.msk [tilespmem:v16+s7+$0x0], $0xffff;
	v19 =	vcvt.s32.f32 v19;
	v7 =	vsub.f32 v7, v14;
	v31 =	vmul.bf16 v31, v1  }
0xcc: {  	v56 =	vld.idx.msk [tilespmem:v33+s7+$0x0], $0xffff;
	v21 =	vadd.bf16 v36, v21;
	v18 =	vmul.f32 v22, v18;
	v23 =	vadd.bf16 v12, v23  }
0xcd: {  	s14 =	sadd.s32 $0x20, s23;
	v22 =	vld.idx.msk [tilespmem:v24+s7+$0x0], $0xffff;
	v30 =	vmul.bf16 v30, v0;
	v12 =	vadd.f32 v35, v29;
	v24 =	vadd.bf16 v31, v28  }
0xce: {  	v14 =	vld [tilespmem:s14+$0x0];
	v28 =	vcvt.s32.f32 v13;
	v13 =	vadd.f32 v18, v6;
	v21 =	vmul.bf16 v34, v21  }
0xcf: {  	v23 =	vmul.bf16 v23, v26;
	v25 =	vadd.bf16 v30, v25;
	v26 =	vsub.f32 $1.000000000e+00, v10;
	v4 =	vld.idx.msk [tilespmem:v4+s7+$0x0], $0xffff  }
0xd0: {  	v6 =	vld.idx.msk [tilespmem:v20+s7+$0x0], $0xffff;
	v17 =	vmul.bf16 v24, v17;
	v11 =	vsub.f32 v11, v28;
	v16 =	vmul.bf16 v16, v1  }
0xd1: {  	s19 =	sor.u32 $0x1, s26;
	v8 =	vld.idx.msk [tilespmem:v8+s7+$0x0], $0xffff;
	v18 =	vadd.bf16 v23, v21;
	v15 =	vmul.bf16 v15, v25;
	v21 =	vmul.bf16 v56, v3  }
0xd2: {  	v20 =	vmul.bf16 v27, v2;
	v5 =	vld.idx.msk [tilespmem:v5+s7+$0x0], $0xffff;
	v23 =	vmov s19;
	v25 =	vsub.f32 $1.000000000e+00, v7  }
0xd3: {  	v24 =	vld [tilespmem:s13+$0xFFFFFFF0];
	v17 =	vadd.bf16 v17, v15;
	v15 =	vunpack.i.u.bf16.f32 v18;
	v21 =	vadd.bf16 v16, v21  }
0xd4: {  	s4 =	sadd.s32 $0x20, s4;
	v27 =	vld [tilespmem:s14+$0xFFFFFFF0];
	v10 =	vmul.f32 v15, v10;
	v15 =	vunpack.i.l.bf16.f32 v18;
	v3 =	vmul.bf16 v4, v3  }
0xd5: {  	v4 =	vmul.bf16 v6, v2;
	v2 =	vmul.bf16 v22, v0;
	v6 =	vld [tilespmem:s4+$0xFFFFFFF0];
	v18 =	vunpack.i.u.bf16.f32 v17  }
0xd6: {  	v22 =	vadd.s32 $0x1, v23;
	v15 =	vmul.f32 v15, v26;
	v7 =	vmul.f32 v18, v7;
	v18 =	vld [tilespmem:s13+$0x0]  }
0xd7: {  	v8 =	vmul.bf16 v8, v1;
	v0 =	vmul.bf16 v5, v0;
	v1 =	vld.idx.msk [tilespmem:v23+s29+$0x0], $0xffff;
	v2 =	vadd.bf16 v2, v20  }
0xd8: {  	v15 =	vadd.f32 v15, v10;
	v10 =	vunpack.i.l.bf16.f32 v17;
	v17 =	vmul.f32 $1.024000000e+03, v24;
	v20 =	vld [tilespmem:s4+$0x0]  }
0xd9: {  	v3 =	vadd.bf16 v8, v3;
	v0 =	vadd.bf16 v0, v4;
	v5 =	vmul.f32 v10, v25  }
0xda: {  	v4 =	vsub.f32 v9, v19;
	v24 =	vtrunc.f32 v17;
	v6 =	vmul.bf16 v6, v2  }
0xdb: {  	v2 =	vld.idx.msk [tilespmem:v22+s29+$0x0], $0xffff;
	v16 =	vadd.f32 v5, v7;
	v5 =	vcvt.f32.s32 v24;
	v7 =	vmul.bf16 v21, v27  }
0xdc: {  	v10 =	vsub.f32 $1.000000000e+00, v11;
	v3 =	vmul.bf16 v3, v14;
	v18 =	vmul.f32 $1.024000000e+03, v18  }
0xdd: {  	s26 =	simm.s32 $0x1AD90;
	v8 =	vadd.s32 v5, v1;
	v7 =	vadd.bf16 v7, v6;
	v0 =	vmul.bf16 v20, v0  }
0xde: {  	v61 =	vld [tilespmem:s26+$0x0];
	v6 =	vadd.s32 $0x400, v1;
	v20 =	vsub.f32 $1.000000000e+00, v4;
	v9 =	vtrunc.f32 v18  }
0xdf: {  	s22 =	sadd.s32 $0x20, s13;
	v14 =	vld.idx.msk [tilespmem:v23+s30+$0x0], $0xffff;
	v23 =	vadd.s32 v5, v6;
	v9 =	vcvt.f32.s32 v9;
	v21 =	vunpack.i.l.bf16.f32 v7  }
0xe0: {  	v24 =	vld [tilespmem:s22+$0xFFFFFFF0];
	v0 =	vadd.bf16 v3, v0;
	v3 =	vunpack.i.u.bf16.f32 v7;
	v19 =	vadd.s32 v5, v2  }
0xe1: {  	v22 =	vld.idx.msk [tilespmem:v22+s30+$0x0], $0xffff;
	v3 =	vmul.f32 v3, v11;
	v7 =	vadd.s32 $0x400, v2;
	v25 =	vadd.s32 v9, v2  }
0xe2: {  	v11 =	vadd.s32 v9, v1;
	v28 =	vadd.s32 v9, v6;
	v26 =	vld.idx.msk [tilespmem:v8+s7+$0x0], $0xffff;
	v8 =	vmul.f32 v21, v10  }
0xe3: {  	v27 =	vld [tilespmem:s22+$0x0];
	v10 =	vunpack.i.u.bf16.f32 v0;
	v21 =	vadd.s32 v5, v7;
	v0 =	vunpack.i.l.bf16.f32 v0  }
0xe4: {  	v4 =	vmul.f32 v10, v4;
	v0 =	vmul.f32 v0, v20;
	v20 =	vsub.f32 $1.000000000e+00, v14;
	v23 =	vld.idx.msk [tilespmem:v23+s7+$0x0], $0xffff  }
0xe5: {  	v24 =	vmul.f32 $1.024000000e+03, v24;
	v10 =	vadd.s32 v9, v7;
	v57 =	vadd.f32 v8, v3;
	v19 =	vld.idx.msk [tilespmem:v19+s7+$0x0], $0xffff  }
0xe6: {  	v8 =	vsub.f32 $1.000000000e+00, v22;
	v58 =	vadd.f32 v0, v4;
	v3 =	vpack.i.f32.bf16 v20, v20;
	v25 =	vld.idx.msk [tilespmem:v25+s7+$0x0], $0xffff  }
0xe7: {  	v0 =	vpack.i.f32.bf16 v14, v14;
	v14 =	vcvt.s32.f32 v5;
	v20 =	vtrunc.f32 v24;
	v11 =	vld.idx.msk [tilespmem:v11+s7+$0x0], $0xffff  }
0xe8: {  	v4 =	vpack.i.f32.bf16 v8, v8;
	v8 =	vmul.f32 $1.024000000e+03, v27;
	v20 =	vcvt.f32.s32 v20;
	v21 =	vld.idx.msk [tilespmem:v21+s7+$0x0], $0xffff  }
0xe9: {  	v9 =	vcvt.s32.f32 v9;
	v5 =	vpack.i.f32.bf16 v22, v22;
	v27 =	vsub.f32 v17, v14;
	v17 =	vld.idx.msk [tilespmem:v28+s7+$0x0], $0xffff  }
0xea: {  	s23 =	simm.s32 $0x1AE90;
	v14 =	vmul.bf16 v26, v3;
	v10 =	vld.idx.msk [tilespmem:v10+s7+$0x0], $0xffff;
	v22 =	vtrunc.f32 v8;
	v26 =	vadd.s32 v20, v1  }
0xeb: {  	v28 =	vld [tilespmem:s23+$0xFFFFFFF0];
	v29 =	vadd.s32 v20, v6;
	v30 =	vadd.s32 v20, v7;
	v23 =	vmul.bf16 v23, v0  }
0xec: {  	v31 =	vld [tilespmem:s26+$0xFFFFFFF0];
	s4 =	sadd.s32 $0x20, s22;
	v60 =	vadd.s32 v20, v2;
	v20 =	vcvt.s32.f32 v20;
	v22 =	vcvt.f32.s32 v22  }
0xed: {  	v38 =	vld [tilespmem:s4+$0x0];
	v19 =	vmul.bf16 v19, v4;
	v25 =	vmul.bf16 v25, v4  }
0xee: {  	v14 =	vadd.bf16 v23, v14;
	v23 =	vld [tilespmem:s4+$0xFFFFFFF0];
	v11 =	vmul.bf16 v11, v3;
	v21 =	vmul.bf16 v21, v5  }
0xef: {  	v62 =	vadd.s32 v22, v2;
	v39 =	vadd.s32 v22, v6;
	v10 =	vmul.bf16 v10, v5;
	v26 =	vld.idx.msk [tilespmem:v26+s7+$0x0], $0xffff  }
0xf0: {  	v28 =	vmul.bf16 v28, v14;
	v14 =	vcvt.s32.f32 v22;
	v40 =	vld.idx.msk [tilespmem:v29+s7+$0x0], $0xffff;
	v19 =	vadd.bf16 v21, v19  }
0xf1: {  	v59 =	vld [tilespmem:s23+$0x0];
	v21 =	vadd.s32 v22, v1;
	v25 =	vadd.bf16 v10, v25;
	v10 =	vmul.bf16 v17, v0  }
0xf2: {  	s22 =	sadd.s32 $0x20, s21;
	s21 =	simm.s32 $0x1ADB0;
	v17 =	vsub.f32 v18, v9;
	v9 =	vmul.f32 $1.024000000e+03, v38;
	v19 =	vmul.bf16 v19, v31  }
0xf3: {  	[tilespmem:s9+$0x0] =	vst v13;
	v13 =	vld [tilespmem:s21+$0x0];
	v31 =	vadd.s32 v22, v7;
	v18 =	vadd.bf16 v10, v11;
	v11 =	vmul.f32 $1.024000000e+03, v23  }
0xf4: {  	v35 =	vld.idx.msk [tilespmem:v60+s7+$0x0], $0xffff;
	v10 =	vsub.f32 v24, v20;
	v22 =	vmul.bf16 v25, v61;
	v20 =	vmul.bf16 v26, v3  }
0xf5: {  	v37 =	vld.idx.msk [tilespmem:v62+s7+$0x0], $0xffff;
	v26 =	vtrunc.f32 v9;
	v36 =	vmul.bf16 v40, v0  }
0xf6: {  	[tilespmem:s9+$0xFFFFFFF0] =	vst v12;
	s23 =	simm.s32 $0x1AEB0;
	v25 =	vadd.bf16 v19, v28;
	v23 =	vld.idx.msk [tilespmem:v21+s7+$0x0], $0xffff;
	v21 =	vmul.bf16 v59, v18;
	v18 =	vtrunc.f32 v11  }
0xf7: {  	[tilespmem:s22+$0x0] =	vst v16;
	v12 =	vld [tilespmem:s23+$0x0];
	v41 =	vsub.f32 $1.000000000e+00, v27;
	v16 =	vcvt.f32.s32 v26;
	v18 =	vcvt.f32.s32 v18  }
0xf8: {  	[tilespmem:s22+$0xFFFFFFF0] =	vst v15;
	v34 =	vld [tilespmem:s23+$0xFFFFFFF0];
	v63 =	vunpack.i.l.bf16.f32 v25;
	v15 =	vunpack.i.u.bf16.f32 v25;
	v21 =	vadd.bf16 v22, v21  }
0xf9: {  	s26 =	sadd.s32 $0x20, s22;
	v24 =	vld.idx.msk [tilespmem:v30+s7+$0x0], $0xffff;
	v22 =	vmul.bf16 v35, v4;
	v30 =	vmul.f32 v15, v27;
	v32 =	vadd.s32 v18, v1  }
0xfa: {  	[tilespmem:s26+$0xFFFFFFF0] =	vst v57;
	v19 =	vsub.f32 $1.000000000e+00, v17;
	v29 =	vld.idx.msk [tilespmem:v31+s7+$0x0], $0xffff;
	v28 =	vmul.bf16 v37, v4;
	v35 =	vmul.f32 v63, v41  }
0xfb: {  	s9 =	smov.u32 s12;
	v31 =	vld.idx.msk [tilespmem:v39+s7+$0x0], $0xffff;
	v25 =	vadd.s32 v18, v6;
	v15 =	vadd.s32 v18, v7;
	v33 =	vadd.s32 v18, v2  }
0xfc: {  	s19 =	sadd.s32 $0x20, s4;
	s22 =	simm.s32 $0x40;
	[tilespmem:s26+$0x0] =	vst v58;
	s4 =	smov.u32 s12;
	v27 =	vld [tilespmem:s21+$0xFFFFFFF0];
	v37 =	vunpack.i.u.bf16.f32 v21;
	v26 =	vmul.bf16 v23, v3;
	v23 =	vadd.s32 v16, v1  }
.LBB2_6:
0xfd: {  	v38 =	vld [tilespmem:s19+$0xFFFFFFF0];
	s22 =	sadd.s32 $0x20, s22;
	v39 =	vadd.s32 v16, v6;
	v40 =	vadd.s32 v16, v2;
	v17 =	vmul.f32 v37, v17;
	s4 =	sadd.s32 $0x20, s4  }
0xfe: {  	v37 =	vadd.s32 v16, v7;
	v24 =	vmul.bf16 v24, v5;
	p1 =	slt.u32 s22, $0xE0;
	v32 =	vld.idx.msk [tilespmem:v32+s7+$0x0], $0xffff;
	v20 =	vadd.bf16 v36, v20  }
0xff: {  	v30 =	vadd.f32 v35, v30;
	v21 =	vunpack.i.l.bf16.f32 v21;
	v29 =	vmul.bf16 v29, v5;
	v36 =	vld [tilespmem:s19+$0x0]  }
0x100: {  	v19 =	vmul.f32 v21, v19;
	v22 =	vadd.bf16 v24, v22;
	v24 =	vmul.bf16 v31, v0;
	v33 =	vld.idx.msk [tilespmem:v33+s7+$0x0], $0xffff  }
0x101: {  	v35 =	vsub.f32 $1.000000000e+00, v10;
	v21 =	vadd.bf16 v29, v28;
	v41 =	vld.idx.msk [tilespmem:v25+s7+$0x0], $0xffff;
	v20 =	vmul.bf16 v34, v20;
	[tilespmem:s9+$0xFFFFFFF0] =	vst v30  }
0x102: {  	v18 =	vcvt.s32.f32 v18;
	v16 =	vcvt.s32.f32 v16;
	v19 =	vadd.f32 v19, v17;
	v28 =	vld.idx.msk [tilespmem:v40+s7+$0x0], $0xffff  }
0x103: {  	v17 =	vsub.f32 v8, v14;
	v8 =	vmovc v9;
	v22 =	vmul.bf16 v22, v27;
	v24 =	vadd.bf16 v24, v26  }
0x104: {  	s21 =	sadd.s32 $0x20, s21;
	s23 =	sadd.s32 $0x20, s23;
	v14 =	vmovc v16;
	v26 =	vsub.f32 v11, v18;
	v11 =	vmul.f32 $1.024000000e+03, v38;
	v13 =	vmul.bf16 v21, v13;
	[tilespmem:s9+$0x0] =	vst v19;
	s9 =	smov.u32 s4  }
0x105: {  	v16 =	vadd.bf16 v22, v20;
	v21 =	vmul.bf16 v12, v24;
	v9 =	vmul.f32 $1.024000000e+03, v36;
	v23 =	vld.idx.msk [tilespmem:v23+s7+$0x0], $0xffff  }
0x106: {  	v20 =	vmul.bf16 v32, v3;
	v18 =	vtrunc.f32 v11;
	v19 =	vsub.f32 $1.000000000e+00, v17;
	v12 =	vld [tilespmem:s23+$0x0]  }
0x107: {  	v18 =	vcvt.f32.s32 v18;
	v34 =	vunpack.i.l.bf16.f32 v16;
	v21 =	vadd.bf16 v13, v21;
	v24 =	vld.idx.msk [tilespmem:v15+s7+$0x0], $0xffff  }
.Ltmp3:
0x108: {  	v22 =	vmul.bf16 v33, v4;
	v27 =	vtrunc.f32 v9;
	v15 =	vunpack.i.u.bf16.f32 v16;
	v13 =	vld [tilespmem:s21+$0x0];
	(pc) =	sbr.rel @p1 .LBB2_6-.Ltmp3, $4  }
0x109: {  	v32 =	vadd.s32 v18, v1;
	v25 =	vadd.s32 v18, v6;
	v30 =	vmul.f32 v15, v10;
	v29 =	vld.idx.msk [tilespmem:v37+s7+$0x0], $0xffff  }
0x10a: {  	v16 =	vcvt.f32.s32 v27;
	v28 =	vmul.bf16 v28, v4;
	v15 =	vadd.s32 v18, v7;
	v10 =	vmovc v26;
	v31 =	vld.idx.msk [tilespmem:v39+s7+$0x0], $0xffff  }
0x10b: {  	v35 =	vmul.f32 v34, v35;
	v33 =	vadd.s32 v18, v2;
	v26 =	vmul.bf16 v23, v3;
	v27 =	vld [tilespmem:s21+$0xFFFFFFF0]  }
0x10c: {  	s19 =	sadd.s32 $0x20, s19;
	v36 =	vmul.bf16 v41, v0;
	v37 =	vunpack.i.u.bf16.f32 v21;
	v23 =	vadd.s32 v16, v1;
	v34 =	vld [tilespmem:s23+$0xFFFFFFF0]  }
0x10d: {  	_ =	sdelay $0x3  }
0x10e: {  	v1 =	vadd.s32 v16, v2;
	v61 =	vadd.s32 v16, v6;
	v62 =	vmul.f32 v37, v17;
	v63 =	vld.idx.msk [tilespmem:v32+s7+$0x0], $0xffff  }
0x10f: {  	v7 =	vadd.s32 v16, v7;
	v24 =	vmul.bf16 v24, v5;
	v30 =	vadd.f32 v35, v30;
	v25 =	vld.idx.msk [tilespmem:v25+s7+$0x0], $0xffff  }
0x110: {  	v21 =	vunpack.i.l.bf16.f32 v21;
	v38 =	vsub.f32 $1.000000000e+00, v10;
	v23 =	vld.idx.msk [tilespmem:v23+s7+$0x0], $0xffff;
	v18 =	vcvt.s32.f32 v18  }
0x111: {  	v15 =	vld.idx.msk [tilespmem:v15+s7+$0x0], $0xffff;
	v39 =	vcvt.s32.f32 v16;
	v8 =	vsub.f32 v8, v14;
	v29 =	vmul.bf16 v29, v5  }
0x112: {  	v20 =	vadd.bf16 v36, v20;
	v36 =	vld.idx.msk [tilespmem:v33+s7+$0x0], $0xffff;
	v19 =	vmul.f32 v21, v19;
	v22 =	vadd.bf16 v24, v22  }
0x113: {  	v37 =	vmul.bf16 v31, v0;
	v11 =	vsub.f32 v11, v18;
	v28 =	vadd.bf16 v29, v28;
	v1 =	vld.idx.msk [tilespmem:v1+s7+$0x0], $0xffff  }
0x114: {  	v41 =	vsub.f32 $1.000000000e+00, v8;
	v60 =	vsub.f32 v9, v39;
	v20 =	vmul.bf16 v34, v20;
	v7 =	vld.idx.msk [tilespmem:v7+s7+$0x0], $0xffff  }
0x115: {  	s14 =	sadd.s32 $0x20, s23;
	v6 =	vadd.f32 v19, v62;
	v22 =	vmul.bf16 v22, v27;
	v13 =	vmul.bf16 v28, v13;
	v2 =	vld.idx.msk [tilespmem:v61+s7+$0x0], $0xffff  }
0x116: {  	s19 =	sadd.s32 $0x20, s21;
	v42 =	vld [tilespmem:s14+$0xFFFFFFF0];
	v24 =	vadd.bf16 v37, v26;
	v17 =	vmul.bf16 v63, v3;
	v44 =	vmul.bf16 v25, v0  }
0x117: {  	v43 =	vld [tilespmem:s19+$0xFFFFFFF0];
	v9 =	vsub.f32 $1.000000000e+00, v60;
	v15 =	vmul.bf16 v15, v5;
	v48 =	vmul.bf16 v23, v3  }
0x118: {  	v45 =	vld [tilespmem:s14+$0x0];
	v61 =	vsub.f32 $1.000000000e+00, v11;
	v40 =	vadd.bf16 v22, v20;
	v46 =	vmul.bf16 v36, v4  }
0x119: {  	v47 =	vld [tilespmem:s19+$0x0];
	v12 =	vmul.bf16 v12, v24;
	v49 =	vadd.bf16 v44, v17;
	v1 =	vmul.bf16 v1, v4  }
0x11a: {  	v51 =	vadd.bf16 v15, v46;
	v50 =	vmul.bf16 v7, v5;
	v52 =	vmul.bf16 v2, v0  }
0x11b: {  	v12 =	vadd.bf16 v13, v12;
	v14 =	vunpack.i.u.bf16.f32 v40;
	v4 =	vmul.bf16 v42, v49  }
0x11c: {  	v55 =	vmul.bf16 v51, v43;
	v1 =	vadd.bf16 v50, v1;
	v0 =	vadd.bf16 v52, v48  }
0x11d: {  	v20 =	vunpack.i.l.bf16.f32 v40;
	v53 =	vmul.f32 v14, v10;
	v54 =	vunpack.i.u.bf16.f32 v12  }
0x11e: {  	v4 =	vadd.bf16 v55, v4;
	v1 =	vmul.bf16 v1, v47;
	v0 =	vmul.bf16 v45, v0  }
0x11f: {  	v56 =	vmul.f32 v20, v38;
	v58 =	vunpack.i.l.bf16.f32 v12;
	v57 =	vmul.f32 v54, v8  }
0x120: {  	v62 =	vunpack.i.u.bf16.f32 v4;
	v4 =	vunpack.i.l.bf16.f32 v4;
	v0 =	vadd.bf16 v1, v0  }
0x121: {  	v2 =	vadd.f32 v56, v53;
	v59 =	vmul.f32 v58, v41;
	v4 =	vmul.f32 v4, v61  }
0x122: {  	p1 =	slt.u32 s16, $0x6;
	[tilespmem:s9+$0xFFFFFFF0] =	vst v30;
	v1 =	vmul.f32 v62, v11;
	v63 =	vunpack.i.u.bf16.f32 v0;
	v0 =	vunpack.i.l.bf16.f32 v0  }
.Ltmp4:
0x123: {  	s4 =	sadd.s32 $0x20, s4;
	[tilespmem:s9+$0x0] =	vst v6;
	v3 =	vadd.f32 v59, v57;
	v5 =	vmul.f32 v63, v60;
	v0 =	vmul.f32 v0, v9;
	(pc) =	sbr.rel @p1 .LBB2_3-.Ltmp4, $4  }
0x124: {  	[tilespmem:s4+$0xFFFFFFF0] =	vst v2;
	v1 =	vadd.f32 v4, v1  }
0x125: {  	s23 =	sadd.s32 $0x20, s4;
	[tilespmem:s4+$0x0] =	vst v3;
	v0 =	vadd.f32 v0, v5  }
0x126: {  	s26 =	sadd.s32 $0x2, s16;
	s10 =	sadd.s32 $0x200, s10;
	s11 =	sadd.s32 $0x200, s11;
	[tilespmem:s23+$0xFFFFFFF0] =	vst v1  }
0x127: {  	s12 =	sadd.s32 $0x200, s12;
	s13 =	sadd.s32 $0x200, s13;
	s16 =	smov.u32 s26;
	[tilespmem:s23+$0x0] =	vst v0  }
0x128: {  	p1 =	sne.s32 s24, $0xF  }
.Ltmp5:
0x129: {  	s25 =	sshll.u32 s24, $0xF;
	(pc) =	sbr.rel @p1 .LBB2_10-.Ltmp5, $4  }
0x12a: {  	s4 =	sor.u32 s25, s8  }
0x12b: {  	s4 =	sshrl.u32 s4, $0x3  }
0x12c: {  	s4 =	sadd.s32 s5, s4  }
0x12d: {  	[hbm4b:s4+s17] =	stream.strided.scatter [tilespmem:s31], [sflag:$0x3], $0x800, s18, s17, $0x38;
	[tilespmem:$0x1CF80] =	vst v63  }
.Ltmp6:
0x12e: {  	(pc) =	sbr.rel .LBB2_11-.Ltmp6, $4  }
0x12f: {  	_ = 	snop  }
0x130: {  	_ =	swait.ge [sflag:s1], $0x800  }
0x131: {  	[sflag:s1] =	ssyncset.done $0x0  }
0x132: {  	[sflag:s1] =	ssyncadd.s32 $0xFFFFF800  }
.LBB2_10:
0x133: {  	s4 =	rddreg [dreg:$0xd]  }
0x134: {  	s4 =	sadd.s32 s25, s4  }
0x135: {  	s4 =	sshrl.u32 s4, $0x3  }
.Ltmp7:
0x136: {  	s9 =	simm.s32 $0x1AF80;
	s4 =	sadd.s32 s0, s4;
	(pc) =	sbr.rel @p0 .LBB2_12-.Ltmp7, $4  }
0x137: {  	[tilespmem:s9], [sflag:$0x1] =	stream.strided.gather [hbm4b:s4+s17], $0x800, s18, s17, $0x38;
	[tilespmem:$0x1CF80] =	vst v63  }
0x138: {  	_ =	swait.ge [sflag:s1], $0x800  }
0x139: {  	[sflag:s1] =	ssyncset.done $0x0  }
0x13a: {  	[sflag:s1] =	ssyncadd.s32 $0xFFFFF800  }
.LBB2_11:
0x13b: {  	_ =	swait.ge [sflag:s3], $0x800  }
0x13c: {  	[sflag:s3] =	ssyncset.done $0x0  }
0x13d: {  	[sflag:s3] =	ssyncadd.s32 $0xFFFFF800  }
.LBB2_12:
0x13e: {  	s6 =	sor.u32 $0x1, s6  }
0x13f: {  	s21 =	simm.s32 $0x0;
	s26 =	simm.s32 $0x1C790;
	s12 =	simm.s32 $0x1B790  }
0x140: {  	s13 =	simm.s32 $0x1C890;
	s16 =	simm.s32 $0x1B890;
	s10 =	sshll.u32 s6, $0x3  }
.LBB2_13:
0x141: {  	s4 =	sor.u32 s10, s21  }
0x142: {  	v1 =	vld [tilespmem:s12+$0xFFFFFFF0];
	v0 =	vmov s4  }
0x143: {  	v3 =	vld [tilespmem:s12+$0x0]  }
0x144: {  	v2 =	vor.u32 $0x1, v0;
	_ =	sdelay $0x2  }
0x145: {  	v9 =	vmul.f32 $1.024000000e+03, v1;
	v4 =	vld.idx.msk [tilespmem:v0+s29+$0x0], $0xffff  }
0x146: {  	v10 =	vmul.f32 $1.024000000e+03, v3  }
0x147: {  	s9 =	sadd.s32 $0x20, s12;
	v5 =	vld.idx.msk [tilespmem:v2+s29+$0x0], $0xffff;
	v1 =	vtrunc.f32 v9  }
0x148: {  	v13 =	vld [tilespmem:s9+$0xFFFFFFF0];
	v7 =	vtrunc.f32 v10;
	v1 =	vcvt.f32.s32 v1  }
0x149: {  	s11 =	simm.s32 $0x1AE90;
	v17 =	vld [tilespmem:s9+$0x0];
	v11 =	vcvt.f32.s32 v7  }
0x14a: {  	v25 =	vld [tilespmem:s11+$0x0];
	v3 =	vadd.s32 v1, v4  }
0x14b: {  	v0 =	vld.idx.msk [tilespmem:v0+s30+$0x0], $0xffff;
	v15 =	vadd.s32 v11, v4  }
0x14c: {  	v12 =	vld.idx.msk [tilespmem:v2+s30+$0x0], $0xffff;
	v6 =	vadd.s32 $0x400, v4;
	v7 =	vadd.s32 v1, v5  }
0x14d: {  	s14 =	simm.s32 $0x1AD90;
	v27 =	vld [tilespmem:s11+$0xFFFFFFF0];
	v2 =	vadd.s32 v1, v6  }
0x14e: {  	v28 =	vld [tilespmem:s14+$0x0];
	v13 =	vmul.f32 $1.024000000e+03, v13;
	v14 =	vadd.s32 v11, v5;
	v8 =	vadd.s32 $0x400, v5  }
0x14f: {  	v18 =	vadd.s32 v1, v8;
	v16 =	vld.idx.msk [tilespmem:v3+s7+$0x0], $0xffff  }
0x150: {  	v24 =	vtrunc.f32 v13;
	v23 =	vcvt.s32.f32 v1;
	v20 =	vadd.s32 v11, v8;
	v15 =	vld.idx.msk [tilespmem:v15+s7+$0x0], $0xffff  }
0x151: {  	v22 =	vadd.s32 v11, v6;
	v3 =	vsub.f32 $1.000000000e+00, v0;
	v19 =	vld.idx.msk [tilespmem:v7+s7+$0x0], $0xffff;
	v7 =	vsub.f32 $1.000000000e+00, v12  }
0x152: {  	v26 =	vsub.f32 v9, v23;
	v1 =	vpack.i.f32.bf16 v12, v12;
	v21 =	vld.idx.msk [tilespmem:v2+s7+$0x0], $0xffff;
	v12 =	vcvt.f32.s32 v24  }
0x153: {  	v14 =	vld.idx.msk [tilespmem:v14+s7+$0x0], $0xffff;
	v2 =	vpack.i.f32.bf16 v3, v3;
	v3 =	vpack.i.f32.bf16 v7, v7;
	v7 =	vmul.f32 $1.024000000e+03, v17  }
0x154: {  	v11 =	vcvt.s32.f32 v11;
	v36 =	vsub.f32 $1.000000000e+00, v26;
	v17 =	vld.idx.msk [tilespmem:v18+s7+$0x0], $0xffff;
	v29 =	vadd.s32 v12, v5  }
0x155: {  	v0 =	vpack.i.f32.bf16 v0, v0;
	v9 =	vmul.bf16 v16, v2;
	v16 =	vld.idx.msk [tilespmem:v20+s7+$0x0], $0xffff;
	v18 =	vtrunc.f32 v7  }
0x156: {  	v22 =	vld.idx.msk [tilespmem:v22+s7+$0x0], $0xffff;
	v23 =	vadd.s32 v12, v6;
	v20 =	vadd.s32 v12, v4;
	v18 =	vcvt.f32.s32 v18  }
0x157: {  	v30 =	vld [tilespmem:s14+$0xFFFFFFF0];
	s9 =	sadd.s32 $0x20, s9;
	v24 =	vadd.s32 v12, v8;
	v15 =	vmul.bf16 v15, v2;
	v21 =	vmul.bf16 v21, v0  }
0x158: {  	v32 =	vld [tilespmem:s9+$0xFFFFFFF0];
	v19 =	vmul.bf16 v19, v3;
	v14 =	vmul.bf16 v14, v3;
	v31 =	vadd.s32 v18, v4  }
0x159: {  	v17 =	vmul.bf16 v17, v1;
	v33 =	vadd.s32 v18, v6;
	v9 =	vadd.bf16 v21, v9;
	v29 =	vld.idx.msk [tilespmem:v29+s7+$0x0], $0xffff  }
0x15a: {  	v34 =	vadd.s32 v18, v5;
	v35 =	vadd.s32 v18, v8;
	v21 =	vld [tilespmem:s9+$0x0];
	v16 =	vmul.bf16 v16, v1  }
0x15b: {  	v17 =	vadd.bf16 v17, v19;
	v19 =	vld.idx.msk [tilespmem:v20+s7+$0x0], $0xffff;
	v20 =	vmul.bf16 v22, v0;
	v22 =	vmul.bf16 v27, v9  }
0x15c: {  	v9 =	vadd.bf16 v16, v14;
	v16 =	vcvt.s32.f32 v12;
	v14 =	vcvt.s32.f32 v18  }
0x15d: {  	v37 =	vld.idx.msk [tilespmem:v23+s7+$0x0], $0xffff;
	v17 =	vmul.bf16 v17, v30;
	v12 =	vsub.f32 v10, v11;
	v15 =	vadd.bf16 v20, v15  }
0x15e: {  	v27 =	vld.idx.msk [tilespmem:v24+s7+$0x0], $0xffff;
	v11 =	vmul.f32 $1.024000000e+03, v32;
	v23 =	vmul.bf16 v29, v3;
	v10 =	vsub.f32 v13, v16  }
0x15f: {  	v20 =	vld.idx.msk [tilespmem:v34+s7+$0x0], $0xffff;
	v16 =	vmul.bf16 v9, v28;
	v9 =	vmul.f32 $1.024000000e+03, v21;
	v28 =	vadd.bf16 v17, v22  }
0x160: {  	v63 =	vld.idx.msk [tilespmem:v31+s7+$0x0], $0xffff;
	v17 =	vmul.bf16 v25, v15;
	v13 =	vtrunc.f32 v11;
	v18 =	vsub.f32 $1.000000000e+00, v12  }
0x161: {  	v31 =	vld.idx.msk [tilespmem:v35+s7+$0x0], $0xffff;
	v21 =	vmul.bf16 v19, v2;
	v13 =	vcvt.f32.s32 v13;
	v38 =	vunpack.i.l.bf16.f32 v28  }
0x162: {  	s23 =	simm.s32 $0x1AEB0;
	v30 =	vld.idx.msk [tilespmem:v33+s7+$0x0], $0xffff;
	v22 =	vadd.bf16 v16, v17;
	v19 =	vtrunc.f32 v9;
	v16 =	vunpack.i.u.bf16.f32 v28  }
0x163: {  	v34 =	vld [tilespmem:s23+$0xFFFFFFF0];
	v32 =	vadd.s32 v13, v4;
	v24 =	vadd.s32 v13, v6;
	v29 =	vmul.f32 v16, v26  }
0x164: {  	s22 =	simm.s32 $0x1ADB0;
	v15 =	vld [tilespmem:s23+$0x0];
	v16 =	vadd.s32 v13, v8;
	v19 =	vcvt.f32.s32 v19;
	v35 =	vmul.f32 v38, v36  }
0x165: {  	s19 =	simm.s32 $0x40;
	v17 =	vld [tilespmem:s22+$0x0];
	v33 =	vadd.s32 v13, v5;
	v36 =	vmul.bf16 v37, v0;
	v28 =	vmul.bf16 v20, v3  }
0x166: {  	s11 =	smov.u32 s26;
	s14 =	sadd.s32 $0x20, s9;
	s9 =	smov.u32 s26;
	v26 =	vld [tilespmem:s22+$0xFFFFFFF0];
	v25 =	vmul.bf16 v63, v2;
	v37 =	vunpack.i.u.bf16.f32 v22;
	v20 =	vadd.s32 v19, v4  }
.LBB2_14:
0x167: {  	v38 =	vld [tilespmem:s14+$0xFFFFFFF0];
	s19 =	sadd.s32 $0x20, s19;
	v39 =	vadd.s32 v19, v6;
	v40 =	vadd.s32 v19, v5;
	v12 =	vmul.f32 v37, v12;
	s11 =	sadd.s32 $0x20, s11  }
0x168: {  	v37 =	vadd.s32 v19, v8;
	v27 =	vmul.bf16 v27, v1;
	p0 =	slt.u32 s19, $0xE0;
	v32 =	vld.idx.msk [tilespmem:v32+s7+$0x0], $0xffff;
	v21 =	vadd.bf16 v36, v21  }
0x169: {  	v29 =	vadd.f32 v35, v29;
	v22 =	vunpack.i.l.bf16.f32 v22;
	v31 =	vmul.bf16 v31, v1;
	v36 =	vld [tilespmem:s14+$0x0]  }
0x16a: {  	v18 =	vmul.f32 v22, v18;
	v23 =	vadd.bf16 v27, v23;
	v27 =	vmul.bf16 v30, v0;
	v33 =	vld.idx.msk [tilespmem:v33+s7+$0x0], $0xffff  }
0x16b: {  	v35 =	vsub.f32 $1.000000000e+00, v10;
	v22 =	vadd.bf16 v31, v28;
	v41 =	vld.idx.msk [tilespmem:v24+s7+$0x0], $0xffff;
	v21 =	vmul.bf16 v34, v21;
	[tilespmem:s9+$0xFFFFFFF0] =	vst v29  }
0x16c: {  	v13 =	vcvt.s32.f32 v13;
	v19 =	vcvt.s32.f32 v19;
	v18 =	vadd.f32 v18, v12;
	v28 =	vld.idx.msk [tilespmem:v40+s7+$0x0], $0xffff  }
0x16d: {  	v12 =	vsub.f32 v7, v14;
	v7 =	vmovc v9;
	v23 =	vmul.bf16 v23, v26;
	v24 =	vadd.bf16 v27, v25  }
0x16e: {  	s22 =	sadd.s32 $0x20, s22;
	s23 =	sadd.s32 $0x20, s23;
	v14 =	vmovc v19;
	v25 =	vsub.f32 v11, v13;
	v11 =	vmul.f32 $1.024000000e+03, v38;
	v17 =	vmul.bf16 v22, v17;
	[tilespmem:s9+$0x0] =	vst v18;
	s9 =	smov.u32 s11  }
0x16f: {  	v19 =	vadd.bf16 v23, v21;
	v22 =	vmul.bf16 v15, v24;
	v9 =	vmul.f32 $1.024000000e+03, v36;
	v20 =	vld.idx.msk [tilespmem:v20+s7+$0x0], $0xffff  }
0x170: {  	v21 =	vmul.bf16 v32, v2;
	v13 =	vtrunc.f32 v11;
	v18 =	vsub.f32 $1.000000000e+00, v12;
	v15 =	vld [tilespmem:s23+$0x0]  }
0x171: {  	v13 =	vcvt.f32.s32 v13;
	v34 =	vunpack.i.l.bf16.f32 v19;
	v22 =	vadd.bf16 v17, v22;
	v27 =	vld.idx.msk [tilespmem:v16+s7+$0x0], $0xffff  }
.Ltmp8:
0x172: {  	v23 =	vmul.bf16 v33, v3;
	v26 =	vtrunc.f32 v9;
	v16 =	vunpack.i.u.bf16.f32 v19;
	v17 =	vld [tilespmem:s22+$0x0];
	(pc) =	sbr.rel @p0 .LBB2_14-.Ltmp8, $4  }
0x173: {  	v32 =	vadd.s32 v13, v4;
	v24 =	vadd.s32 v13, v6;
	v29 =	vmul.f32 v16, v10;
	v31 =	vld.idx.msk [tilespmem:v37+s7+$0x0], $0xffff  }
0x174: {  	v19 =	vcvt.f32.s32 v26;
	v28 =	vmul.bf16 v28, v3;
	v16 =	vadd.s32 v13, v8;
	v10 =	vmovc v25;
	v30 =	vld.idx.msk [tilespmem:v39+s7+$0x0], $0xffff  }
0x175: {  	v35 =	vmul.f32 v34, v35;
	v33 =	vadd.s32 v13, v5;
	v25 =	vmul.bf16 v20, v2;
	v26 =	vld [tilespmem:s22+$0xFFFFFFF0]  }
0x176: {  	s14 =	sadd.s32 $0x20, s14;
	v36 =	vmul.bf16 v41, v0;
	v37 =	vunpack.i.u.bf16.f32 v22;
	v20 =	vadd.s32 v19, v4;
	v34 =	vld [tilespmem:s23+$0xFFFFFFF0]  }
0x177: {  	_ =	sdelay $0x2  }
0x178: {  	v4 =	vadd.s32 v19, v5;
	v5 =	vadd.s32 v19, v6;
	v6 =	vmul.f32 v37, v12  }
0x179: {  	v12 =	vmul.bf16 v27, v1;
	v27 =	vld.idx.msk [tilespmem:v32+s7+$0x0], $0xffff;
	v8 =	vadd.s32 v19, v8;
	v22 =	vunpack.i.l.bf16.f32 v22  }
0x17a: {  	v16 =	vld.idx.msk [tilespmem:v16+s7+$0x0], $0xffff;
	v19 =	vcvt.s32.f32 v19;
	v7 =	vsub.f32 v7, v14;
	v31 =	vmul.bf16 v31, v1  }
0x17b: {  	v56 =	vld.idx.msk [tilespmem:v33+s7+$0x0], $0xffff;
	v21 =	vadd.bf16 v36, v21;
	v18 =	vmul.f32 v22, v18;
	v23 =	vadd.bf16 v12, v23  }
0x17c: {  	s14 =	sadd.s32 $0x20, s22;
	v22 =	vld.idx.msk [tilespmem:v24+s7+$0x0], $0xffff;
	v30 =	vmul.bf16 v30, v0;
	v12 =	vadd.f32 v35, v29;
	v24 =	vadd.bf16 v31, v28  }
0x17d: {  	v14 =	vld [tilespmem:s14+$0x0];
	v28 =	vcvt.s32.f32 v13;
	v13 =	vadd.f32 v18, v6;
	v21 =	vmul.bf16 v34, v21  }
0x17e: {  	v23 =	vmul.bf16 v23, v26;
	v25 =	vadd.bf16 v30, v25;
	v26 =	vsub.f32 $1.000000000e+00, v10;
	v4 =	vld.idx.msk [tilespmem:v4+s7+$0x0], $0xffff  }
0x17f: {  	v6 =	vld.idx.msk [tilespmem:v20+s7+$0x0], $0xffff;
	v17 =	vmul.bf16 v24, v17;
	v11 =	vsub.f32 v11, v28;
	v16 =	vmul.bf16 v16, v1  }
0x180: {  	s4 =	sor.u32 $0x1, s4;
	v8 =	vld.idx.msk [tilespmem:v8+s7+$0x0], $0xffff;
	v18 =	vadd.bf16 v23, v21;
	v15 =	vmul.bf16 v15, v25;
	v21 =	vmul.bf16 v56, v3  }
0x181: {  	v20 =	vmul.bf16 v27, v2;
	v5 =	vld.idx.msk [tilespmem:v5+s7+$0x0], $0xffff;
	v23 =	vmov s4;
	v25 =	vsub.f32 $1.000000000e+00, v7  }
0x182: {  	v24 =	vld [tilespmem:s16+$0xFFFFFFF0];
	v17 =	vadd.bf16 v17, v15;
	v15 =	vunpack.i.u.bf16.f32 v18;
	v21 =	vadd.bf16 v16, v21  }
0x183: {  	s19 =	sadd.s32 $0x20, s23;
	v27 =	vld [tilespmem:s14+$0xFFFFFFF0];
	v10 =	vmul.f32 v15, v10;
	v15 =	vunpack.i.l.bf16.f32 v18;
	v3 =	vmul.bf16 v4, v3  }
0x184: {  	v4 =	vmul.bf16 v6, v2;
	v2 =	vmul.bf16 v22, v0;
	v6 =	vld [tilespmem:s19+$0xFFFFFFF0];
	v18 =	vunpack.i.u.bf16.f32 v17  }
0x185: {  	v22 =	vadd.s32 $0x1, v23;
	v15 =	vmul.f32 v15, v26;
	v7 =	vmul.f32 v18, v7;
	v18 =	vld [tilespmem:s16+$0x0]  }
0x186: {  	v8 =	vmul.bf16 v8, v1;
	v0 =	vmul.bf16 v5, v0;
	v1 =	vld.idx.msk [tilespmem:v23+s29+$0x0], $0xffff;
	v2 =	vadd.bf16 v2, v20  }
0x187: {  	v15 =	vadd.f32 v15, v10;
	v10 =	vunpack.i.l.bf16.f32 v17;
	v17 =	vmul.f32 $1.024000000e+03, v24;
	v20 =	vld [tilespmem:s19+$0x0]  }
0x188: {  	v3 =	vadd.bf16 v8, v3;
	v0 =	vadd.bf16 v0, v4;
	v5 =	vmul.f32 v10, v25  }
0x189: {  	v4 =	vsub.f32 v9, v19;
	v24 =	vtrunc.f32 v17;
	v6 =	vmul.bf16 v6, v2  }
0x18a: {  	v2 =	vld.idx.msk [tilespmem:v22+s29+$0x0], $0xffff;
	v16 =	vadd.f32 v5, v7;
	v5 =	vcvt.f32.s32 v24;
	v7 =	vmul.bf16 v21, v27  }
0x18b: {  	s22 =	sadd.s32 $0x20, s16;
	v10 =	vsub.f32 $1.000000000e+00, v11;
	v3 =	vmul.bf16 v3, v14;
	v18 =	vmul.f32 $1.024000000e+03, v18  }
0x18c: {  	s4 =	sadd.s32 $0x20, s22;
	v8 =	vadd.s32 v5, v1;
	v7 =	vadd.bf16 v7, v6;
	v0 =	vmul.bf16 v20, v0  }
0x18d: {  	v38 =	vld [tilespmem:s4+$0x0];
	v6 =	vadd.s32 $0x400, v1;
	v20 =	vsub.f32 $1.000000000e+00, v4;
	v9 =	vtrunc.f32 v18  }
0x18e: {  	v14 =	vld.idx.msk [tilespmem:v23+s30+$0x0], $0xffff;
	v23 =	vadd.s32 v5, v6;
	v9 =	vcvt.f32.s32 v9;
	v21 =	vunpack.i.l.bf16.f32 v7  }
0x18f: {  	v24 =	vld [tilespmem:s22+$0xFFFFFFF0];
	v0 =	vadd.bf16 v3, v0;
	v3 =	vunpack.i.u.bf16.f32 v7;
	v19 =	vadd.s32 v5, v2  }
0x190: {  	v22 =	vld.idx.msk [tilespmem:v22+s30+$0x0], $0xffff;
	v3 =	vmul.f32 v3, v11;
	v7 =	vadd.s32 $0x400, v2;
	v25 =	vadd.s32 v9, v2  }
0x191: {  	v11 =	vadd.s32 v9, v1;
	v28 =	vadd.s32 v9, v6;
	v26 =	vld.idx.msk [tilespmem:v8+s7+$0x0], $0xffff;
	v8 =	vmul.f32 v21, v10  }
0x192: {  	v27 =	vld [tilespmem:s22+$0x0];
	v10 =	vunpack.i.u.bf16.f32 v0;
	v21 =	vadd.s32 v5, v7;
	v0 =	vunpack.i.l.bf16.f32 v0  }
0x193: {  	v4 =	vmul.f32 v10, v4;
	v0 =	vmul.f32 v0, v20;
	v20 =	vsub.f32 $1.000000000e+00, v14;
	v23 =	vld.idx.msk [tilespmem:v23+s7+$0x0], $0xffff  }
0x194: {  	v24 =	vmul.f32 $1.024000000e+03, v24;
	v10 =	vadd.s32 v9, v7;
	v57 =	vadd.f32 v8, v3;
	v19 =	vld.idx.msk [tilespmem:v19+s7+$0x0], $0xffff  }
0x195: {  	v8 =	vsub.f32 $1.000000000e+00, v22;
	v58 =	vadd.f32 v0, v4;
	v3 =	vpack.i.f32.bf16 v20, v20;
	v25 =	vld.idx.msk [tilespmem:v25+s7+$0x0], $0xffff  }
0x196: {  	v0 =	vpack.i.f32.bf16 v14, v14;
	v14 =	vcvt.s32.f32 v5;
	v20 =	vtrunc.f32 v24;
	v11 =	vld.idx.msk [tilespmem:v11+s7+$0x0], $0xffff  }
0x197: {  	v4 =	vpack.i.f32.bf16 v8, v8;
	v8 =	vmul.f32 $1.024000000e+03, v27;
	v20 =	vcvt.f32.s32 v20;
	v21 =	vld.idx.msk [tilespmem:v21+s7+$0x0], $0xffff  }
0x198: {  	v9 =	vcvt.s32.f32 v9;
	v5 =	vpack.i.f32.bf16 v22, v22;
	v27 =	vsub.f32 v17, v14;
	v17 =	vld.idx.msk [tilespmem:v28+s7+$0x0], $0xffff  }
0x199: {  	s23 =	simm.s32 $0x1AE90;
	v14 =	vmul.bf16 v26, v3;
	v10 =	vld.idx.msk [tilespmem:v10+s7+$0x0], $0xffff;
	v22 =	vtrunc.f32 v8;
	v26 =	vadd.s32 v20, v1  }
0x19a: {  	s19 =	simm.s32 $0x1AD90;
	v28 =	vld [tilespmem:s23+$0xFFFFFFF0];
	v29 =	vadd.s32 v20, v6;
	v30 =	vadd.s32 v20, v7;
	v23 =	vmul.bf16 v23, v0  }
0x19b: {  	v31 =	vld [tilespmem:s19+$0xFFFFFFF0];
	v60 =	vadd.s32 v20, v2;
	v20 =	vcvt.s32.f32 v20;
	v22 =	vcvt.f32.s32 v22  }
0x19c: {  	v61 =	vld [tilespmem:s19+$0x0];
	v19 =	vmul.bf16 v19, v4;
	v25 =	vmul.bf16 v25, v4  }
0x19d: {  	v14 =	vadd.bf16 v23, v14;
	v23 =	vld [tilespmem:s4+$0xFFFFFFF0];
	v11 =	vmul.bf16 v11, v3;
	v21 =	vmul.bf16 v21, v5  }
0x19e: {  	v62 =	vadd.s32 v22, v2;
	v39 =	vadd.s32 v22, v6;
	v10 =	vmul.bf16 v10, v5;
	v26 =	vld.idx.msk [tilespmem:v26+s7+$0x0], $0xffff  }
0x19f: {  	v28 =	vmul.bf16 v28, v14;
	v14 =	vcvt.s32.f32 v22;
	v40 =	vld.idx.msk [tilespmem:v29+s7+$0x0], $0xffff;
	v19 =	vadd.bf16 v21, v19  }
0x1a0: {  	v59 =	vld [tilespmem:s23+$0x0];
	v21 =	vadd.s32 v22, v1;
	v25 =	vadd.bf16 v10, v25;
	v10 =	vmul.bf16 v17, v0  }
0x1a1: {  	s19 =	sadd.s32 $0x20, s11;
	s11 =	simm.s32 $0x1ADB0;
	v17 =	vsub.f32 v18, v9;
	v9 =	vmul.f32 $1.024000000e+03, v38;
	v19 =	vmul.bf16 v19, v31  }
0x1a2: {  	[tilespmem:s9+$0x0] =	vst v13;
	v13 =	vld [tilespmem:s11+$0x0];
	v31 =	vadd.s32 v22, v7;
	v18 =	vadd.bf16 v10, v11;
	v11 =	vmul.f32 $1.024000000e+03, v23  }
0x1a3: {  	v35 =	vld.idx.msk [tilespmem:v60+s7+$0x0], $0xffff;
	v10 =	vsub.f32 v24, v20;
	v22 =	vmul.bf16 v25, v61;
	v20 =	vmul.bf16 v26, v3  }
0x1a4: {  	v37 =	vld.idx.msk [tilespmem:v62+s7+$0x0], $0xffff;
	v26 =	vtrunc.f32 v9;
	v36 =	vmul.bf16 v40, v0  }
0x1a5: {  	[tilespmem:s9+$0xFFFFFFF0] =	vst v12;
	s23 =	simm.s32 $0x1AEB0;
	v25 =	vadd.bf16 v19, v28;
	v23 =	vld.idx.msk [tilespmem:v21+s7+$0x0], $0xffff;
	v21 =	vmul.bf16 v59, v18;
	v18 =	vtrunc.f32 v11  }
0x1a6: {  	[tilespmem:s19+$0x0] =	vst v16;
	v12 =	vld [tilespmem:s23+$0x0];
	v41 =	vsub.f32 $1.000000000e+00, v27;
	v16 =	vcvt.f32.s32 v26;
	v18 =	vcvt.f32.s32 v18  }
0x1a7: {  	[tilespmem:s19+$0xFFFFFFF0] =	vst v15;
	v34 =	vld [tilespmem:s23+$0xFFFFFFF0];
	v63 =	vunpack.i.l.bf16.f32 v25;
	v15 =	vunpack.i.u.bf16.f32 v25;
	v21 =	vadd.bf16 v22, v21  }
0x1a8: {  	s22 =	sadd.s32 $0x20, s19;
	v24 =	vld.idx.msk [tilespmem:v30+s7+$0x0], $0xffff;
	v22 =	vmul.bf16 v35, v4;
	v30 =	vmul.f32 v15, v27;
	v32 =	vadd.s32 v18, v1  }
0x1a9: {  	[tilespmem:s22+$0xFFFFFFF0] =	vst v57;
	v19 =	vsub.f32 $1.000000000e+00, v17;
	v29 =	vld.idx.msk [tilespmem:v31+s7+$0x0], $0xffff;
	v28 =	vmul.bf16 v37, v4;
	v35 =	vmul.f32 v63, v41  }
0x1aa: {  	s9 =	smov.u32 s13;
	v31 =	vld.idx.msk [tilespmem:v39+s7+$0x0], $0xffff;
	v25 =	vadd.s32 v18, v6;
	v15 =	vadd.s32 v18, v7;
	v33 =	vadd.s32 v18, v2  }
0x1ab: {  	s14 =	sadd.s32 $0x20, s4;
	s19 =	simm.s32 $0x40;
	[tilespmem:s22+$0x0] =	vst v58;
	s4 =	smov.u32 s13;
	v27 =	vld [tilespmem:s11+$0xFFFFFFF0];
	v37 =	vunpack.i.u.bf16.f32 v21;
	v26 =	vmul.bf16 v23, v3;
	v23 =	vadd.s32 v16, v1  }
.LBB2_16:
0x1ac: {  	v38 =	vld [tilespmem:s14+$0xFFFFFFF0];
	s19 =	sadd.s32 $0x20, s19;
	v39 =	vadd.s32 v16, v6;
	v40 =	vadd.s32 v16, v2;
	v17 =	vmul.f32 v37, v17;
	s4 =	sadd.s32 $0x20, s4  }
0x1ad: {  	v37 =	vadd.s32 v16, v7;
	v24 =	vmul.bf16 v24, v5;
	p0 =	slt.u32 s19, $0xE0;
	v32 =	vld.idx.msk [tilespmem:v32+s7+$0x0], $0xffff;
	v20 =	vadd.bf16 v36, v20  }
0x1ae: {  	v30 =	vadd.f32 v35, v30;
	v21 =	vunpack.i.l.bf16.f32 v21;
	v29 =	vmul.bf16 v29, v5;
	v36 =	vld [tilespmem:s14+$0x0]  }
0x1af: {  	v19 =	vmul.f32 v21, v19;
	v22 =	vadd.bf16 v24, v22;
	v24 =	vmul.bf16 v31, v0;
	v33 =	vld.idx.msk [tilespmem:v33+s7+$0x0], $0xffff  }
0x1b0: {  	v35 =	vsub.f32 $1.000000000e+00, v10;
	v21 =	vadd.bf16 v29, v28;
	v41 =	vld.idx.msk [tilespmem:v25+s7+$0x0], $0xffff;
	v20 =	vmul.bf16 v34, v20;
	[tilespmem:s9+$0xFFFFFFF0] =	vst v30  }
0x1b1: {  	v18 =	vcvt.s32.f32 v18;
	v16 =	vcvt.s32.f32 v16;
	v19 =	vadd.f32 v19, v17;
	v28 =	vld.idx.msk [tilespmem:v40+s7+$0x0], $0xffff  }
0x1b2: {  	v17 =	vsub.f32 v8, v14;
	v8 =	vmovc v9;
	v22 =	vmul.bf16 v22, v27;
	v24 =	vadd.bf16 v24, v26  }
0x1b3: {  	s11 =	sadd.s32 $0x20, s11;
	s23 =	sadd.s32 $0x20, s23;
	v14 =	vmovc v16;
	v26 =	vsub.f32 v11, v18;
	v11 =	vmul.f32 $1.024000000e+03, v38;
	v13 =	vmul.bf16 v21, v13;
	[tilespmem:s9+$0x0] =	vst v19;
	s9 =	smov.u32 s4  }
0x1b4: {  	v16 =	vadd.bf16 v22, v20;
	v21 =	vmul.bf16 v12, v24;
	v9 =	vmul.f32 $1.024000000e+03, v36;
	v23 =	vld.idx.msk [tilespmem:v23+s7+$0x0], $0xffff  }
0x1b5: {  	v20 =	vmul.bf16 v32, v3;
	v18 =	vtrunc.f32 v11;
	v19 =	vsub.f32 $1.000000000e+00, v17;
	v12 =	vld [tilespmem:s23+$0x0]  }
0x1b6: {  	v18 =	vcvt.f32.s32 v18;
	v34 =	vunpack.i.l.bf16.f32 v16;
	v21 =	vadd.bf16 v13, v21;
	v24 =	vld.idx.msk [tilespmem:v15+s7+$0x0], $0xffff  }
.Ltmp9:
0x1b7: {  	v22 =	vmul.bf16 v33, v4;
	v27 =	vtrunc.f32 v9;
	v15 =	vunpack.i.u.bf16.f32 v16;
	v13 =	vld [tilespmem:s11+$0x0];
	(pc) =	sbr.rel @p0 .LBB2_16-.Ltmp9, $4  }
0x1b8: {  	v32 =	vadd.s32 v18, v1;
	v25 =	vadd.s32 v18, v6;
	v30 =	vmul.f32 v15, v10;
	v29 =	vld.idx.msk [tilespmem:v37+s7+$0x0], $0xffff  }
0x1b9: {  	v16 =	vcvt.f32.s32 v27;
	v28 =	vmul.bf16 v28, v4;
	v15 =	vadd.s32 v18, v7;
	v10 =	vmovc v26;
	v31 =	vld.idx.msk [tilespmem:v39+s7+$0x0], $0xffff  }
0x1ba: {  	v35 =	vmul.f32 v34, v35;
	v33 =	vadd.s32 v18, v2;
	v26 =	vmul.bf16 v23, v3;
	v27 =	vld [tilespmem:s11+$0xFFFFFFF0]  }
0x1bb: {  	s14 =	sadd.s32 $0x20, s14;
	v36 =	vmul.bf16 v41, v0;
	v37 =	vunpack.i.u.bf16.f32 v21;
	v23 =	vadd.s32 v16, v1;
	v34 =	vld [tilespmem:s23+$0xFFFFFFF0]  }
0x1bc: {  	_ =	sdelay $0x3  }
0x1bd: {  	v1 =	vadd.s32 v16, v2;
	v61 =	vadd.s32 v16, v6;
	v62 =	vmul.f32 v37, v17;
	v63 =	vld.idx.msk [tilespmem:v32+s7+$0x0], $0xffff  }
0x1be: {  	v7 =	vadd.s32 v16, v7;
	v24 =	vmul.bf16 v24, v5;
	v30 =	vadd.f32 v35, v30;
	v25 =	vld.idx.msk [tilespmem:v25+s7+$0x0], $0xffff  }
0x1bf: {  	v21 =	vunpack.i.l.bf16.f32 v21;
	v38 =	vsub.f32 $1.000000000e+00, v10;
	v23 =	vld.idx.msk [tilespmem:v23+s7+$0x0], $0xffff;
	v18 =	vcvt.s32.f32 v18  }
0x1c0: {  	v15 =	vld.idx.msk [tilespmem:v15+s7+$0x0], $0xffff;
	v39 =	vcvt.s32.f32 v16;
	v8 =	vsub.f32 v8, v14;
	v29 =	vmul.bf16 v29, v5  }
0x1c1: {  	v20 =	vadd.bf16 v36, v20;
	v36 =	vld.idx.msk [tilespmem:v33+s7+$0x0], $0xffff;
	v19 =	vmul.f32 v21, v19;
	v22 =	vadd.bf16 v24, v22  }
0x1c2: {  	v37 =	vmul.bf16 v31, v0;
	v11 =	vsub.f32 v11, v18;
	v28 =	vadd.bf16 v29, v28;
	v1 =	vld.idx.msk [tilespmem:v1+s7+$0x0], $0xffff  }
0x1c3: {  	v41 =	vsub.f32 $1.000000000e+00, v8;
	v60 =	vsub.f32 v9, v39;
	v20 =	vmul.bf16 v34, v20;
	v7 =	vld.idx.msk [tilespmem:v7+s7+$0x0], $0xffff  }
0x1c4: {  	s14 =	sadd.s32 $0x20, s23;
	v6 =	vadd.f32 v19, v62;
	v22 =	vmul.bf16 v22, v27;
	v13 =	vmul.bf16 v28, v13;
	v2 =	vld.idx.msk [tilespmem:v61+s7+$0x0], $0xffff  }
0x1c5: {  	s11 =	sadd.s32 $0x20, s11;
	v42 =	vld [tilespmem:s14+$0xFFFFFFF0];
	v24 =	vadd.bf16 v37, v26;
	v17 =	vmul.bf16 v63, v3;
	v44 =	vmul.bf16 v25, v0  }
0x1c6: {  	v43 =	vld [tilespmem:s11+$0xFFFFFFF0];
	v9 =	vsub.f32 $1.000000000e+00, v60;
	v15 =	vmul.bf16 v15, v5;
	v48 =	vmul.bf16 v23, v3  }
0x1c7: {  	v45 =	vld [tilespmem:s14+$0x0];
	v61 =	vsub.f32 $1.000000000e+00, v11;
	v40 =	vadd.bf16 v22, v20;
	v46 =	vmul.bf16 v36, v4  }
0x1c8: {  	v47 =	vld [tilespmem:s11+$0x0];
	v12 =	vmul.bf16 v12, v24;
	v49 =	vadd.bf16 v44, v17;
	v1 =	vmul.bf16 v1, v4  }
0x1c9: {  	v51 =	vadd.bf16 v15, v46;
	v50 =	vmul.bf16 v7, v5;
	v52 =	vmul.bf16 v2, v0  }
0x1ca: {  	v12 =	vadd.bf16 v13, v12;
	v14 =	vunpack.i.u.bf16.f32 v40;
	v4 =	vmul.bf16 v42, v49  }
0x1cb: {  	v55 =	vmul.bf16 v51, v43;
	v1 =	vadd.bf16 v50, v1;
	v0 =	vadd.bf16 v52, v48  }
0x1cc: {  	v20 =	vunpack.i.l.bf16.f32 v40;
	v53 =	vmul.f32 v14, v10;
	v54 =	vunpack.i.u.bf16.f32 v12  }
0x1cd: {  	v4 =	vadd.bf16 v55, v4;
	v1 =	vmul.bf16 v1, v47;
	v0 =	vmul.bf16 v45, v0  }
0x1ce: {  	v56 =	vmul.f32 v20, v38;
	v58 =	vunpack.i.l.bf16.f32 v12;
	v57 =	vmul.f32 v54, v8  }
0x1cf: {  	v62 =	vunpack.i.u.bf16.f32 v4;
	v4 =	vunpack.i.l.bf16.f32 v4;
	v0 =	vadd.bf16 v1, v0  }
0x1d0: {  	v2 =	vadd.f32 v56, v53;
	v59 =	vmul.f32 v58, v41;
	v4 =	vmul.f32 v4, v61  }
0x1d1: {  	p0 =	slt.u32 s21, $0x6;
	[tilespmem:s9+$0xFFFFFFF0] =	vst v30;
	v1 =	vmul.f32 v62, v11;
	v63 =	vunpack.i.u.bf16.f32 v0;
	v0 =	vunpack.i.l.bf16.f32 v0  }
.Ltmp10:
0x1d2: {  	s4 =	sadd.s32 $0x20, s4;
	[tilespmem:s9+$0x0] =	vst v6;
	v3 =	vadd.f32 v59, v57;
	v5 =	vmul.f32 v63, v60;
	v0 =	vmul.f32 v0, v9;
	(pc) =	sbr.rel @p0 .LBB2_13-.Ltmp10, $4  }
0x1d3: {  	[tilespmem:s4+$0xFFFFFFF0] =	vst v2;
	v1 =	vadd.f32 v4, v1  }
0x1d4: {  	s22 =	sadd.s32 $0x20, s4;
	[tilespmem:s4+$0x0] =	vst v3;
	v0 =	vadd.f32 v0, v5  }
0x1d5: {  	s23 =	sadd.s32 $0x2, s21;
	s26 =	sadd.s32 $0x200, s26;
	s12 =	sadd.s32 $0x200, s12;
	[tilespmem:s22+$0xFFFFFFF0] =	vst v1  }
0x1d6: {  	s13 =	sadd.s32 $0x200, s13;
	s16 =	sadd.s32 $0x200, s16;
	s21 =	smov.u32 s23;
	[tilespmem:s22+$0x0] =	vst v0  }
0x1d7: {  	p0 =	seq.s32 s24, $0xF  }
.Ltmp11:
0x1d8: {  	s4 =	sshll.u32 s6, $0xE;
	(pc) =	sbr.rel @p0 .LBB2_20-.Ltmp11, $4  }
0x1d9: {  	s4 =	sadd.s32 s8, s4  }
0x1da: {  	s4 =	sshrl.u32 s4, $0x3  }
0x1db: {  	s4 =	sadd.s32 s5, s4  }
0x1dc: {  	[hbm4b:s4+s17] =	stream.strided.scatter [tilespmem:s2], [sflag:$0x4], $0x800, s18, s17, $0x38;
	[tilespmem:$0x1CF80] =	vst v63  }
.Ltmp12:
0x1dd: {  	(pc) =	sbr.rel .LBB2_2-.Ltmp12, $4  }
0x1de: {  	s4 =	sadd.s32 s25, s15  }
0x1df: {  	s4 =	sshrl.u32 s4, $0x3  }
0x1e0: {  	s24 =	sadd.s32 $0x1, s24;
	s4 =	sadd.s32 s0, s4  }
0x1e1: {  	[tilespmem:s20], [sflag:$0x2] =	stream.strided.gather [hbm4b:s4+s17], $0x800, s18, s17, $0x38;
	[tilespmem:$0x1CF80] =	vst v63  }
.LBB2_21:
0x1e2: {  	_ =	sfence.sel $0x180000  }
0x1e3: {  	[bflag:$0x0] =	sbarrier.arrive $0xFFFF  }
0x1e4: {  	_ =	strace $0x90000047  }
0x1e5: {  	s0 =	stileid.u32;
	[bflag:$0x2] =	sbarrier.arrive $0xFFFF  }
0x1e6: {  	p0 =	sne.s32 s0, $0x0;
	s0 =	rddreg [dreg:$0x7]  }
0x1e7: {  	s0 =	sadd.s32 @!p0 $0x100000, s0  }
0x1e8: {  	[sflag:s0] =	ssyncadd.tile.s32 @!p0 $0x1;
	_ =	shalt  }
.Lfunc_end2:
_tile_overlayer_lowered:
.L_overlay_start_2:
0x1e9: {  	(tag) =	ssettag $0x2  }
0x1ea: {  	s0 =	rddreg [dreg:$0x0];
	s2 =	stileid.u32  }
0x1eb: {  	s1 =	rddreg [dreg:$0x1];
	p0 =	sne.s32 s2, $0x0  }
0x1ec: {  	s3 =	rddreg [dreg:$0x2];
	[bflag:$0x3] =	sbarrier.arrive $0xFFFF;
	s2 =	simm.s32 @!p0 $0x1C06  }
0x1ed: {  	[timem:s3], [sflag:s2] =	dma.local @!p0 [hbm:s0], s1  }
0x1ee: {  	s0 =	simm.s32 @!p0 $0x6  }
0x1ef: {  	_ =	swait.ge @!p0 [sflag:s0], s1  }
0x1f0: {  	s1 =	ssub.s32 @!p0 $0x0, s1;
	[sflag:s0] =	ssyncset.done @!p0 $0x0  }
0x1f1: {  	[sflag:s0] =	ssyncadd.s32 @!p0 s1  }
0x1f2: {  	[bflag:$0x3] =	sbarrier.arrive $0xFFFF  }
0x1f3: {  	_ =	shalt  }

</sc_bundles>
